<compile_context>
chip_gen: v7x
topology: tpu7x:2x2x1
jax: 0.10.2.dev20260603
libtpu: 0.0.44.dev20260713+nightly
codegen_flags: <defaults>
</compile_context>

<pallas_src>
import functools

import jax
import jax.numpy as jnp
from jax import lax
from jax.experimental import pallas as pl
from jax.experimental.pallas import tpu as pltpu
from jax.experimental.pallas import tpu_sc as plsc

NC = 2
NS = 16
NW = NC * NS
CHUNK = 128
UNROLL = 6


def _round_up(x, m):
    return (x + m - 1) // m * m


@functools.lru_cache(maxsize=None)
def _make_sc_aggregate(n, d, npad, total_chunks, cps):
    rps = npad // NS
    assert cps % UNROLL == 0 and cps >= UNROLL

    mesh = plsc.VectorSubcoreMesh(core_axis_name="c", subcore_axis_name="s")

    scratch = (
        [pltpu.VMEM((CHUNK,), jnp.int32) for _ in range(3)]
        + [pltpu.VMEM((CHUNK,), jnp.int32) for _ in range(3)]
        + [pltpu.VMEM((CHUNK, d), jnp.float32) for _ in range(3)]
        + [pltpu.VMEM_SHARED((npad, d), jnp.float32)]
        + [pltpu.SemaphoreType.DMA for _ in range(3)]
        + [pltpu.SemaphoreType.DMA for _ in range(3)]
        + [pltpu.SemaphoreType.DMA for _ in range(3)]
        + [pltpu.SemaphoreType.DMA]
    )

    @functools.partial(
        pl.kernel,
        mesh=mesh,
        out_type=jax.ShapeDtypeStruct((NC * npad, d), jnp.float32),
        scratch_types=scratch,
    )
    def sc_agg(edge_hbm, feat_hbm, zeros_hbm, out_hbm, *scr):
        si = scr[0:3]
        di = scr[3:6]
        rows = scr[6:9]
        agg_sh = scr[9]
        ssem = scr[10:13]
        dsem = scr[13:16]
        g = scr[16:19]
        sc = scr[19]

        cid = lax.axis_index("c")
        sid = lax.axis_index("s")
        wid = sid * NC + cid
        row0 = sid * rps
        vlim = (total_chunks + NW - 1 - wid) // NW

        def load_si(s_, lane):
            pltpu.async_copy(edge_hbm.at[s_ * NW + wid, 0], si[lane], ssem[lane])

        def load_di(s_, lane):
            pltpu.async_copy(edge_hbm.at[s_ * NW + wid, 1], di[lane], dsem[lane])

        def wait_si(lane):
            pltpu.make_async_copy(edge_hbm.at[0, 0], si[lane], ssem[lane]).wait()

        def wait_di(lane):
            pltpu.make_async_copy(edge_hbm.at[0, 1], di[lane], dsem[lane]).wait()

        def gather(lane_i, lane_r):
            pltpu.async_copy(feat_hbm.at[si[lane_i]], rows[lane_r], g[lane_r])

        def wait_gather(lane_r):
            pltpu.make_async_copy(
                feat_hbm.at[si[0]], rows[lane_r], g[lane_r]).wait()

        def drain_scatter():
            pltpu.make_async_copy(rows[0], agg_sh.at[di[0]], sc).wait()

        for q in range(3):
            load_si(q, q)
        load_di(0, 0)
        load_di(1, 1)
        wait_si(0)
        gather(0, 0)
        wait_si(1)
        gather(1, 1)

        pltpu.sync_copy(zeros_hbm, agg_sh.at[pl.ds(row0, rps)])
        plsc.subcore_barrier()

        def body(k, carry):
            for q in range(UNROLL):
                s = k * UNROLL + q

                @pl.when(jnp.logical_and(s >= 1, s <= vlim))
                def _():
                    drain_scatter()

                @pl.when(s + 2 < vlim)
                def _():
                    wait_si((q + 2) % 3)
                    gather((q + 2) % 3, (q + 2) % 3)
                    load_di(s + 2, (q + 2) % 3)

                @pl.when(s < vlim)
                def _():
                    wait_gather(q % 3)

                @pl.when(s + 3 < vlim)
                def _():
                    load_si(s + 3, q % 3)

                @pl.when(s < vlim)
                def _():
                    wait_di(q % 3)
                    pltpu.async_copy(rows[q % 3], agg_sh.at[di[q % 3]],
                                     sc, add=True)
            return carry
        lax.fori_loop(0, cps // UNROLL, body, 0)

        plsc.subcore_barrier()

        pltpu.sync_copy(agg_sh.at[pl.ds(row0, rps)],
                        out_hbm.at[pl.ds(cid * npad + row0, rps)])

    return sc_agg


def _make_mlp(n, d, npad):
    def _mlp_body(feat, aggs, w1, b1, g, be, w2, b2, out):
        h = feat[...] + aggs[:n, :] + aggs[npad:npad + n, :]
        h = lax.dot_general(h, w1[...], (((1,), (1,)), ((), ())),
                            preferred_element_type=jnp.float32) + b1[...]
        mean = jnp.mean(h, axis=0, keepdims=True)
        c = h - mean
        var = jnp.mean(c * c, axis=0, keepdims=True)
        h = c * lax.rsqrt(var + 1e-5) * g[...] + be[...]
        h = jnp.maximum(h, 0.0)
        out[...] = lax.dot_general(h, w2[...], (((1,), (1,)), ((), ())),
                                   preferred_element_type=jnp.float32) + b2[...]

    return pl.pallas_call(
        _mlp_body, out_shape=jax.ShapeDtypeStruct((n, d), jnp.float32))


def kernel(nfeat, edge_index, W1, b1, bn_gamma, bn_beta, W2, b2):
    n, d = nfeat.shape
    e = edge_index.shape[1]
    npad = _round_up(n + 1, NS * 8)
    ec = _round_up(e, CHUNK)
    if ec > e:
        i = jnp.arange(ec - e, dtype=jnp.int32)
        pad = jnp.stack([i % n, n + i % (npad - n)])
        edge_index = jnp.concatenate([edge_index, pad], axis=1)
    total_chunks = ec // CHUNK
    cps = _round_up(-(-total_chunks // NW), UNROLL)
    edge_t = edge_index.reshape(2, total_chunks, CHUNK).transpose(1, 0, 2)
    zeros = jnp.zeros((npad // NS, d), jnp.float32)
    aggs = _make_sc_aggregate(n, d, npad, total_chunks, cps)(
        edge_t, nfeat, zeros)
    return _make_mlp(n, d, npad)(
        nfeat, aggs, W1, b1.reshape(1, d), bn_gamma.reshape(1, d),
        bn_beta.reshape(1, d), W2, b2.reshape(1, d))

# --- scband reference (transcript-rebuilt; emitter-appended) ---
"""Pipeline reference for scband-ginconv-layer-24163486007673 (READ-ONLY COPY).

The authoritative reference and input builder live on the scoring server;
editing this copy changes nothing except your own understanding.
"""

import jax, jax.numpy as jnp
import numpy as np

N, E, D = 10000, 320000, 128

def setup_inputs(seed: int = 0) -> dict:
    key = jax.random.key(seed)
    ks = jax.random.split(key, 8)
    nfeat = jax.random.normal(ks[0], (N, D), dtype=jnp.float32)
    edge_index = jax.random.randint(ks[1], (2, E), 0, N, dtype=jnp.int32)
    s = 1.0 / np.sqrt(D)
    W1 = jax.random.uniform(ks[2], (D, D), dtype=jnp.float32, minval=-s, maxval=s)
    b1 = jnp.zeros((D,), dtype=jnp.float32)
    bn_gamma = jnp.ones((D,), dtype=jnp.float32)
    bn_beta = jnp.zeros((D,), dtype=jnp.float32)
    W2 = jax.random.uniform(ks[3], (D, D), dtype=jnp.float32, minval=-s, maxval=s)
    b2 = jnp.zeros((D,), dtype=jnp.float32)
    return {"nfeat": nfeat, "edge_index": edge_index, "W1": W1, "b1": b1,
            "bn_gamma": bn_gamma, "bn_beta": bn_beta, "W2": W2, "b2": b2}

def reference(nfeat, edge_index, W1, b1, bn_gamma, bn_beta, W2, b2):
    # DGL GINConv with aggregator_type='sum', init_eps=0, learn_eps=False:
    #   h = (1 + eps) * nfeat + sum_{j in N(i)} nfeat[j]
    src = edge_index[0]
    dst = edge_index[1]
    msg = jnp.take(nfeat, src, axis=0)                       # gather (SparseCore)
    agg = jax.ops.segment_sum(msg, dst, num_segments=nfeat.shape[0])  # scatter-add
    eps = 0.0
    h = (1.0 + eps) * nfeat + agg
    # apply_func: Linear -> BatchNorm1d (training-mode batch stats) -> ReLU -> Linear
    h = h @ W1.T + b1
    mean = jnp.mean(h, axis=0)
    var = jnp.mean((h - mean) ** 2, axis=0)
    h = (h - mean) / jnp.sqrt(var + 1e-5) * bn_gamma + bn_beta
    h = jax.nn.relu(h)
    out = h @ W2.T + b2
    return out

if __name__ == "__main__":
    import jax
    _d = setup_inputs()
    print(jax.jit(kernel)(*tuple(_d.values())))

</pallas_src>

<mosaic_0001>
#map = affine_map<(d0, d1) -> (0, 0, 0)>
#map1 = affine_map<(d0, d1) -> (0, 0)>
module attributes {stable_mosaic.version = 14 : i64} {
  func.func @sc_agg(%arg0: i32, %arg1: i32, %arg2: memref<2500x2x128xi32, #tpu.memory_space<hbm>>, %arg3: memref<10000x128xf32, #tpu.memory_space<hbm>>, %arg4: memref<632x128xf32, #tpu.memory_space<hbm>>, %arg5: memref<20224x128xf32, #tpu.memory_space<hbm>>, %arg6: memref<128xi32, #tpu.memory_space<vmem>>, %arg7: memref<128xi32, #tpu.memory_space<vmem>>, %arg8: memref<128xi32, #tpu.memory_space<vmem>>, %arg9: memref<128xi32, #tpu.memory_space<vmem>>, %arg10: memref<128xi32, #tpu.memory_space<vmem>>, %arg11: memref<128xi32, #tpu.memory_space<vmem>>, %arg12: memref<128x128xf32, #tpu.memory_space<vmem>>, %arg13: memref<128x128xf32, #tpu.memory_space<vmem>>, %arg14: memref<128x128xf32, #tpu.memory_space<vmem>>, %arg15: memref<10112x128xf32, #tpu.memory_space<vmem_shared>>, %arg16: memref<!tpu.dma_semaphore, #tpu.memory_space<semaphore_mem>>, %arg17: memref<!tpu.dma_semaphore, #tpu.memory_space<semaphore_mem>>, %arg18: memref<!tpu.dma_semaphore, #tpu.memory_space<semaphore_mem>>, %arg19: memref<!tpu.dma_semaphore, #tpu.memory_space<semaphore_mem>>, %arg20: memref<!tpu.dma_semaphore, #tpu.memory_space<semaphore_mem>>, %arg21: memref<!tpu.dma_semaphore, #tpu.memory_space<semaphore_mem>>, %arg22: memref<!tpu.dma_semaphore, #tpu.memory_space<semaphore_mem>>, %arg23: memref<!tpu.dma_semaphore, #tpu.memory_space<semaphore_mem>>, %arg24: memref<!tpu.dma_semaphore, #tpu.memory_space<semaphore_mem>>, %arg25: memref<!tpu.dma_semaphore, #tpu.memory_space<semaphore_mem>>) attributes {dimension_semantics = [#tpu.dimension_semantics<core_parallel>, #tpu.dimension_semantics<subcore_parallel>], iteration_bounds = array<i64: 2, 16>, scalar_prefetch = 0 : i64, scratch_operands = 20 : i64, tpu.core_type = #tpu.core_type<sc_vector_subcore>, window_params = [{transform_indices = #map}, {transform_indices = #map1}, {transform_indices = #map1}, {transform_indices = #map1}]} {
    %mul3A = arith.constant 2 : i32
    %mul3A_0 = arith.muli %arg1, %mul3A : i32
    %add3A = arith.addi %mul3A_0, %arg0 : i32
    %mul3A_1 = arith.constant 632 : i32
    %mul3A_2 = arith.muli %arg1, %mul3A_1 : i32
    %sub3A = arith.constant 2531 : i32
    %sub3A_3 = arith.subi %sub3A, %add3A : i32
    %jit3A = arith.constant 32 : i32
    %div3A = arith.divsi %sub3A_3, %jit3A : i32
    %sign3A = arith.constant 0 : i32
    %sign3A_4 = arith.cmpi sgt, %sub3A_3, %sign3A : i32
    %sign3A_5 = arith.extui %sign3A_4 : i1 to i32
    %sign3A_6 = arith.constant 0 : i32
    %sign3A_7 = arith.cmpi slt, %sub3A_3, %sign3A_6 : i32
    %sign3A_8 = arith.extui %sign3A_7 : i1 to i32
    %sign3A_9 = arith.subi %sign3A_5, %sign3A_8 : i32
    %sign3A_10 = arith.constant 0 : i32
    %sign3A_11 = arith.cmpi sgt, %jit3A, %sign3A_10 : i32
    %sign3A_12 = arith.extui %sign3A_11 : i1 to i32
    %sign3A_13 = arith.constant 0 : i32
    %sign3A_14 = arith.cmpi slt, %jit3A, %sign3A_13 : i32
    %sign3A_15 = arith.extui %sign3A_14 : i1 to i32
    %sign3A_16 = arith.subi %sign3A_12, %sign3A_15 : i32
    %ne3A = arith.cmpi ne, %sign3A_9, %sign3A_16 : i32
    %rem3A = arith.remsi %sub3A_3, %jit3A : i32
    %ne3A_17 = arith.constant 0 : i32
    %ne3A_18 = arith.cmpi ne, %rem3A, %ne3A_17 : i32
    %and3A = arith.andi %ne3A, %ne3A_18 : i1
    %sub3A_19 = arith.constant 1 : i32
    %sub3A_20 = arith.subi %div3A, %sub3A_19 : i32
    %select_n3A = arith.select %and3A, %sub3A_20, %div3A : i32
    %add3A_21 = arith.constant 0 : i32
    %add3A_22 = arith.addi %add3A_21, %add3A : i32
    %dma_start3A = arith.constant 0 : i32
    %dma_start3A_23 = arith.constant 0 : i32
    %dma_start3A_24 = tpu.memref_slice %arg2[%add3A_22, %dma_start3A, %dma_start3A_23] : memref<2500x2x128xi32, #tpu.memory_space<hbm>> -> memref<1x1x128xi32, #tpu.memory_space<hbm>>
    %dma_start3A_25 = tpu.memref_squeeze %dma_start3A_24 : memref<1x1x128xi32, #tpu.memory_space<hbm>> -> memref<128xi32, #tpu.memory_space<hbm>>
    %dma_start3A_26 = arith.constant 0 : i32
    %dma_start3A_27 = tpu.memref_slice %arg2[%add3A_22, %dma_start3A, %dma_start3A_26] : memref<2500x2x128xi32, #tpu.memory_space<hbm>> -> memref<1x1x128xi32, #tpu.memory_space<hbm>>
    %dma_start3A_28 = tpu.memref_squeeze %dma_start3A_27 : memref<1x1x128xi32, #tpu.memory_space<hbm>> -> memref<128xi32, #tpu.memory_space<hbm>>
    tpu.enqueue_dma source(%dma_start3A_28 : memref<128xi32, #tpu.memory_space<hbm>>) target(%arg6 : memref<128xi32, #tpu.memory_space<vmem>>) target_semaphore(%arg16 : memref<!tpu.dma_semaphore, #tpu.memory_space<semaphore_mem>>)
    %add3A_29 = arith.constant 32 : i32
    %add3A_30 = arith.addi %add3A_29, %add3A : i32
    %dma_start3A_31 = arith.constant 0 : i32
    %dma_start3A_32 = arith.constant 0 : i32
    %dma_start3A_33 = tpu.memref_slice %arg2[%add3A_30, %dma_start3A_31, %dma_start3A_32] : memref<2500x2x128xi32, #tpu.memory_space<hbm>> -> memref<1x1x128xi32, #tpu.memory_space<hbm>>
    %dma_start3A_34 = tpu.memref_squeeze %dma_start3A_33 : memref<1x1x128xi32, #tpu.memory_space<hbm>> -> memref<128xi32, #tpu.memory_space<hbm>>
    %dma_start3A_35 = arith.constant 0 : i32
    %dma_start3A_36 = tpu.memref_slice %arg2[%add3A_30, %dma_start3A_31, %dma_start3A_35] : memref<2500x2x128xi32, #tpu.memory_space<hbm>> -> memref<1x1x128xi32, #tpu.memory_space<hbm>>
    %dma_start3A_37 = tpu.memref_squeeze %dma_start3A_36 : memref<1x1x128xi32, #tpu.memory_space<hbm>> -> memref<128xi32, #tpu.memory_space<hbm>>
    tpu.enqueue_dma source(%dma_start3A_37 : memref<128xi32, #tpu.memory_space<hbm>>) target(%arg7 : memref<128xi32, #tpu.memory_space<vmem>>) target_semaphore(%arg17 : memref<!tpu.dma_semaphore, #tpu.memory_space<semaphore_mem>>)
    %add3A_38 = arith.constant 64 : i32
    %add3A_39 = arith.addi %add3A_38, %add3A : i32
    %dma_start3A_40 = arith.constant 0 : i32
    %dma_start3A_41 = arith.constant 0 : i32
    %dma_start3A_42 = tpu.memref_slice %arg2[%add3A_39, %dma_start3A_40, %dma_start3A_41] : memref<2500x2x128xi32, #tpu.memory_space<hbm>> -> memref<1x1x128xi32, #tpu.memory_space<hbm>>
    %dma_start3A_43 = tpu.memref_squeeze %dma_start3A_42 : memref<1x1x128xi32, #tpu.memory_space<hbm>> -> memref<128xi32, #tpu.memory_space<hbm>>
    %dma_start3A_44 = arith.constant 0 : i32
    %dma_start3A_45 = tpu.memref_slice %arg2[%add3A_39, %dma_start3A_40, %dma_start3A_44] : memref<2500x2x128xi32, #tpu.memory_space<hbm>> -> memref<1x1x128xi32, #tpu.memory_space<hbm>>
    %dma_start3A_46 = tpu.memref_squeeze %dma_start3A_45 : memref<1x1x128xi32, #tpu.memory_space<hbm>> -> memref<128xi32, #tpu.memory_space<hbm>>
    tpu.enqueue_dma source(%dma_start3A_46 : memref<128xi32, #tpu.memory_space<hbm>>) target(%arg8 : memref<128xi32, #tpu.memory_space<vmem>>) target_semaphore(%arg18 : memref<!tpu.dma_semaphore, #tpu.memory_space<semaphore_mem>>)
    %add3A_47 = arith.constant 0 : i32
    %add3A_48 = arith.addi %add3A_47, %add3A : i32
    %dma_start3A_49 = arith.constant 1 : i32
    %dma_start3A_50 = arith.constant 0 : i32
    %dma_start3A_51 = tpu.memref_slice %arg2[%add3A_48, %dma_start3A_49, %dma_start3A_50] : memref<2500x2x128xi32, #tpu.memory_space<hbm>> -> memref<1x1x128xi32, #tpu.memory_space<hbm>>
    %dma_start3A_52 = tpu.memref_squeeze %dma_start3A_51 : memref<1x1x128xi32, #tpu.memory_space<hbm>> -> memref<128xi32, #tpu.memory_space<hbm>>
    %dma_start3A_53 = arith.constant 0 : i32
    %dma_start3A_54 = tpu.memref_slice %arg2[%add3A_48, %dma_start3A_49, %dma_start3A_53] : memref<2500x2x128xi32, #tpu.memory_space<hbm>> -> memref<1x1x128xi32, #tpu.memory_space<hbm>>
    %dma_start3A_55 = tpu.memref_squeeze %dma_start3A_54 : memref<1x1x128xi32, #tpu.memory_space<hbm>> -> memref<128xi32, #tpu.memory_space<hbm>>
    tpu.enqueue_dma source(%dma_start3A_55 : memref<128xi32, #tpu.memory_space<hbm>>) target(%arg9 : memref<128xi32, #tpu.memory_space<vmem>>) target_semaphore(%arg19 : memref<!tpu.dma_semaphore, #tpu.memory_space<semaphore_mem>>)
    %add3A_56 = arith.constant 32 : i32
    %add3A_57 = arith.addi %add3A_56, %add3A : i32
    %dma_start3A_58 = arith.constant 1 : i32
    %dma_start3A_59 = arith.constant 0 : i32
    %dma_start3A_60 = tpu.memref_slice %arg2[%add3A_57, %dma_start3A_58, %dma_start3A_59] : memref<2500x2x128xi32, #tpu.memory_space<hbm>> -> memref<1x1x128xi32, #tpu.memory_space<hbm>>
    %dma_start3A_61 = tpu.memref_squeeze %dma_start3A_60 : memref<1x1x128xi32, #tpu.memory_space<hbm>> -> memref<128xi32, #tpu.memory_space<hbm>>
    %dma_start3A_62 = arith.constant 0 : i32
    %dma_start3A_63 = tpu.memref_slice %arg2[%add3A_57, %dma_start3A_58, %dma_start3A_62] : memref<2500x2x128xi32, #tpu.memory_space<hbm>> -> memref<1x1x128xi32, #tpu.memory_space<hbm>>
    %dma_start3A_64 = tpu.memref_squeeze %dma_start3A_63 : memref<1x1x128xi32, #tpu.memory_space<hbm>> -> memref<128xi32, #tpu.memory_space<hbm>>
    tpu.enqueue_dma source(%dma_start3A_64 : memref<128xi32, #tpu.memory_space<hbm>>) target(%arg10 : memref<128xi32, #tpu.memory_space<vmem>>) target_semaphore(%arg20 : memref<!tpu.dma_semaphore, #tpu.memory_space<semaphore_mem>>)
    %dma_wait3A = arith.constant 0 : i32
    %dma_wait3A_65 = arith.constant 0 : i32
    %dma_wait3A_66 = arith.constant 0 : i32
    %dma_wait3A_67 = tpu.memref_slice %arg2[%dma_wait3A, %dma_wait3A_65, %dma_wait3A_66] : memref<2500x2x128xi32, #tpu.memory_space<hbm>> -> memref<1x1x128xi32, #tpu.memory_space<hbm>>
    %dma_wait3A_68 = tpu.memref_squeeze %dma_wait3A_67 : memref<1x1x128xi32, #tpu.memory_space<hbm>> -> memref<128xi32, #tpu.memory_space<hbm>>
    %dma_wait3A_69 = arith.constant 0 : i32
    %dma_wait3A_70 = tpu.memref_slice %arg2[%dma_wait3A, %dma_wait3A_65, %dma_wait3A_69] : memref<2500x2x128xi32, #tpu.memory_space<hbm>> -> memref<1x1x128xi32, #tpu.memory_space<hbm>>
    %dma_wait3A_71 = tpu.memref_squeeze %dma_wait3A_70 : memref<1x1x128xi32, #tpu.memory_space<hbm>> -> memref<128xi32, #tpu.memory_space<hbm>>
    tpu.wait_dma2 semaphore(%arg16 : memref<!tpu.dma_semaphore, #tpu.memory_space<semaphore_mem>>) src(%dma_wait3A_71 : memref<128xi32, #tpu.memory_space<hbm>>) dst(%arg6 : memref<128xi32, #tpu.memory_space<vmem>>)
    %dma_start3A_72 = arith.constant 0 : i32
    %dma_start3A_73 = arith.constant 0 : i32
    %dma_start3A_74 = tpu.memref_slice %arg3[%dma_start3A_72, %dma_start3A_73] : memref<10000x128xf32, #tpu.memory_space<hbm>> -> memref<10000x128xf32, #tpu.memory_space<hbm>>
    tpu.enqueue_indirect_dma source(%dma_start3A_74 : memref<10000x128xf32, #tpu.memory_space<hbm>>) target(%arg12 : memref<128x128xf32, #tpu.memory_space<vmem>>) offsets(%arg6 : memref<128xi32, #tpu.memory_space<vmem>>) semaphore(%arg22 : memref<!tpu.dma_semaphore, #tpu.memory_space<semaphore_mem>>)
    %dma_wait3A_75 = arith.constant 0 : i32
    %dma_wait3A_76 = arith.constant 0 : i32
    %dma_wait3A_77 = arith.constant 0 : i32
    %dma_wait3A_78 = tpu.memref_slice %arg2[%dma_wait3A_75, %dma_wait3A_76, %dma_wait3A_77] : memref<2500x2x128xi32, #tpu.memory_space<hbm>> -> memref<1x1x128xi32, #tpu.memory_space<hbm>>
    %dma_wait3A_79 = tpu.memref_squeeze %dma_wait3A_78 : memref<1x1x128xi32, #tpu.memory_space<hbm>> -> memref<128xi32, #tpu.memory_space<hbm>>
    %dma_wait3A_80 = arith.constant 0 : i32
    %dma_wait3A_81 = tpu.memref_slice %arg2[%dma_wait3A_75, %dma_wait3A_76, %dma_wait3A_80] : memref<2500x2x128xi32, #tpu.memory_space<hbm>> -> memref<1x1x128xi32, #tpu.memory_space<hbm>>
    %dma_wait3A_82 = tpu.memref_squeeze %dma_wait3A_81 : memref<1x1x128xi32, #tpu.memory_space<hbm>> -> memref<128xi32, #tpu.memory_space<hbm>>
    tpu.wait_dma2 semaphore(%arg17 : memref<!tpu.dma_semaphore, #tpu.memory_space<semaphore_mem>>) src(%dma_wait3A_82 : memref<128xi32, #tpu.memory_space<hbm>>) dst(%arg7 : memref<128xi32, #tpu.memory_space<vmem>>)
    %dma_start3A_83 = arith.constant 0 : i32
    %dma_start3A_84 = arith.constant 0 : i32
    %dma_start3A_85 = tpu.memref_slice %arg3[%dma_start3A_83, %dma_start3A_84] : memref<10000x128xf32, #tpu.memory_space<hbm>> -> memref<10000x128xf32, #tpu.memory_space<hbm>>
    tpu.enqueue_indirect_dma source(%dma_start3A_85 : memref<10000x128xf32, #tpu.memory_space<hbm>>) target(%arg13 : memref<128x128xf32, #tpu.memory_space<vmem>>) offsets(%arg7 : memref<128xi32, #tpu.memory_space<vmem>>) semaphore(%arg23 : memref<!tpu.dma_semaphore, #tpu.memory_space<semaphore_mem>>)
    "tpu.region"() ({
      %run_scoped3A = tpu.sem_alloc : memref<!tpu.dma_semaphore, #tpu.memory_space<semaphore_mem>>
      %dma_start3A_95 = arith.constant 0 : i32
      %dma_start3A_96 = tpu.memref_slice %arg15[%mul3A_2, %dma_start3A_95] : memref<10112x128xf32, #tpu.memory_space<vmem_shared>> -> memref<632x128xf32, #tpu.memory_space<vmem_shared>>
      tpu.enqueue_dma source(%arg4 : memref<632x128xf32, #tpu.memory_space<hbm>>) target(%dma_start3A_96 : memref<632x128xf32, #tpu.memory_space<vmem_shared>>) target_semaphore(%run_scoped3A : memref<!tpu.dma_semaphore, #tpu.memory_space<semaphore_mem>>)
      %dma_wait3A_97 = arith.constant 0 : i32
      %dma_wait3A_98 = tpu.memref_slice %arg15[%mul3A_2, %dma_wait3A_97] : memref<10112x128xf32, #tpu.memory_space<vmem_shared>> -> memref<632x128xf32, #tpu.memory_space<vmem_shared>>
      tpu.wait_dma2 semaphore(%run_scoped3A : memref<!tpu.dma_semaphore, #tpu.memory_space<semaphore_mem>>) src(%arg4 : memref<632x128xf32, #tpu.memory_space<hbm>>) dst(%dma_wait3A_98 : memref<632x128xf32, #tpu.memory_space<vmem_shared>>)
      tpu.yield
    }) : () -> ()
    %barrier3A = arith.constant 0 : index
    tpu.barrier barrier_id(%barrier3A)
    %scan3A = arith.constant 0 : i32
    %scan3A_86 = arith.constant 0 : i32
    %scan3A_87 = arith.constant 14 : i32
    %scan3A_88 = arith.addi %scan3A_86, %scan3A_87 : i32
    %scan3A_89 = arith.constant 1 : i32
    scf.for %scan3A_95 = %scan3A_86 to %scan3A_88 step %scan3A_89  : i32 {
      %mul3A_96 = arith.constant 6 : i32
      %mul3A_97 = arith.muli %scan3A_95, %mul3A_96 : i32
      %add3A_98 = arith.constant 0 : i32
      %add3A_99 = arith.addi %mul3A_97, %add3A_98 : i32
      %ge3A = arith.constant 1 : i32
      %ge3A_100 = arith.cmpi sge, %add3A_99, %ge3A : i32
      %le3A = arith.cmpi sle, %add3A_99, %select_n3A : i32
      %and3A_101 = arith.andi %ge3A_100, %le3A : i1
      %convert_element_type3A = arith.extui %and3A_101 : i1 to i32
      %cond3A = arith.constant 0 : i32
      %cond3A_102 = arith.cmpi ne, %convert_element_type3A, %cond3A : i32
      scf.if %cond3A_102 {
        %dma_wait3A_277 = arith.constant 0 : i32
        %dma_wait3A_278 = arith.constant 0 : i32
        %dma_wait3A_279 = tpu.memref_slice %arg15[%dma_wait3A_277, %dma_wait3A_278] : memref<10112x128xf32, #tpu.memory_space<vmem_shared>> -> memref<10112x128xf32, #tpu.memory_space<vmem_shared>>
        tpu.wait_indirect_dma semaphore(%arg25 : memref<!tpu.dma_semaphore, #tpu.memory_space<semaphore_mem>>) src(%arg12 : memref<128x128xf32, #tpu.memory_space<vmem>>) dst(%dma_wait3A_279 : memref<10112x128xf32, #tpu.memory_space<vmem_shared>>)
      } else {
      }
      %add3A_103 = arith.constant 2 : i32
      %add3A_104 = arith.addi %add3A_99, %add3A_103 : i32
      %lt3A = arith.cmpi slt, %add3A_104, %select_n3A : i32
      %convert_element_type3A_105 = arith.extui %lt3A : i1 to i32
      %cond3A_106 = arith.constant 0 : i32
      %cond3A_107 = arith.cmpi ne, %convert_element_type3A_105, %cond3A_106 : i32
      scf.if %cond3A_107 {
        %dma_wait3A_277 = arith.constant 0 : i32
        %dma_wait3A_278 = arith.constant 0 : i32
        %dma_wait3A_279 = arith.constant 0 : i32
        %dma_wait3A_280 = tpu.memref_slice %arg2[%dma_wait3A_277, %dma_wait3A_278, %dma_wait3A_279] : memref<2500x2x128xi32, #tpu.memory_space<hbm>> -> memref<1x1x128xi32, #tpu.memory_space<hbm>>
        %dma_wait3A_281 = tpu.memref_squeeze %dma_wait3A_280 : memref<1x1x128xi32, #tpu.memory_space<hbm>> -> memref<128xi32, #tpu.memory_space<hbm>>
        %dma_wait3A_282 = arith.constant 0 : i32
        %dma_wait3A_283 = tpu.memref_slice %arg2[%dma_wait3A_277, %dma_wait3A_278, %dma_wait3A_282] : memref<2500x2x128xi32, #tpu.memory_space<hbm>> -> memref<1x1x128xi32, #tpu.memory_space<hbm>>
        %dma_wait3A_284 = tpu.memref_squeeze %dma_wait3A_283 : memref<1x1x128xi32, #tpu.memory_space<hbm>> -> memref<128xi32, #tpu.memory_space<hbm>>
        tpu.wait_dma2 semaphore(%arg18 : memref<!tpu.dma_semaphore, #tpu.memory_space<semaphore_mem>>) src(%dma_wait3A_284 : memref<128xi32, #tpu.memory_space<hbm>>) dst(%arg8 : memref<128xi32, #tpu.memory_space<vmem>>)
        %dma_start3A_285 = arith.constant 0 : i32
        %dma_start3A_286 = arith.constant 0 : i32
        %dma_start3A_287 = tpu.memref_slice %arg3[%dma_start3A_285, %dma_start3A_286] : memref<10000x128xf32, #tpu.memory_space<hbm>> -> memref<10000x128xf32, #tpu.memory_space<hbm>>
        tpu.enqueue_indirect_dma source(%dma_start3A_287 : memref<10000x128xf32, #tpu.memory_space<hbm>>) target(%arg14 : memref<128x128xf32, #tpu.memory_space<vmem>>) offsets(%arg8 : memref<128xi32, #tpu.memory_space<vmem>>) semaphore(%arg24 : memref<!tpu.dma_semaphore, #tpu.memory_space<semaphore_mem>>)
        %add3A_288 = arith.constant 2 : i32
        %add3A_289 = arith.addi %add3A_99, %add3A_288 : i32
        %mul3A_290 = arith.constant 32 : i32
        %mul3A_291 = arith.muli %add3A_289, %mul3A_290 : i32
        %add3A_292 = arith.addi %mul3A_291, %add3A : i32
        %dma_start3A_293 = arith.constant 1 : i32
        %dma_start3A_294 = arith.constant 0 : i32
        %dma_start3A_295 = tpu.memref_slice %arg2[%add3A_292, %dma_start3A_293, %dma_start3A_294] : memref<2500x2x128xi32, #tpu.memory_space<hbm>> -> memref<1x1x128xi32, #tpu.memory_space<hbm>>
        %dma_start3A_296 = tpu.memref_squeeze %dma_start3A_295 : memref<1x1x128xi32, #tpu.memory_space<hbm>> -> memref<128xi32, #tpu.memory_space<hbm>>
        %dma_start3A_297 = arith.constant 0 : i32
        %dma_start3A_298 = tpu.memref_slice %arg2[%add3A_292, %dma_start3A_293, %dma_start3A_297] : memref<2500x2x128xi32, #tpu.memory_space<hbm>> -> memref<1x1x128xi32, #tpu.memory_space<hbm>>
        %dma_start3A_299 = tpu.memref_squeeze %dma_start3A_298 : memref<1x1x128xi32, #tpu.memory_space<hbm>> -> memref<128xi32, #tpu.memory_space<hbm>>
        tpu.enqueue_dma source(%dma_start3A_299 : memref<128xi32, #tpu.memory_space<hbm>>) target(%arg11 : memref<128xi32, #tpu.memory_space<vmem>>) target_semaphore(%arg21 : memref<!tpu.dma_semaphore, #tpu.memory_space<semaphore_mem>>)
      } else {
      }
      %lt3A_108 = arith.cmpi slt, %add3A_99, %select_n3A : i32
      %convert_element_type3A_109 = arith.extui %lt3A_108 : i1 to i32
      %cond3A_110 = arith.constant 0 : i32
      %cond3A_111 = arith.cmpi ne, %convert_element_type3A_109, %cond3A_110 : i32
      scf.if %cond3A_111 {
        %dma_wait3A_277 = arith.constant 0 : i32
        %dma_wait3A_278 = arith.constant 0 : i32
        %dma_wait3A_279 = tpu.memref_slice %arg3[%dma_wait3A_277, %dma_wait3A_278] : memref<10000x128xf32, #tpu.memory_space<hbm>> -> memref<10000x128xf32, #tpu.memory_space<hbm>>
        tpu.wait_indirect_dma semaphore(%arg22 : memref<!tpu.dma_semaphore, #tpu.memory_space<semaphore_mem>>) src(%dma_wait3A_279 : memref<10000x128xf32, #tpu.memory_space<hbm>>) dst(%arg12 : memref<128x128xf32, #tpu.memory_space<vmem>>)
      } else {
      }
      %add3A_112 = arith.constant 3 : i32
      %add3A_113 = arith.addi %add3A_99, %add3A_112 : i32
      %lt3A_114 = arith.cmpi slt, %add3A_113, %select_n3A : i32
      %convert_element_type3A_115 = arith.extui %lt3A_114 : i1 to i32
      %cond3A_116 = arith.constant 0 : i32
      %cond3A_117 = arith.cmpi ne, %convert_element_type3A_115, %cond3A_116 : i32
      scf.if %cond3A_117 {
        %add3A_277 = arith.constant 3 : i32
        %add3A_278 = arith.addi %add3A_99, %add3A_277 : i32
        %mul3A_279 = arith.constant 32 : i32
        %mul3A_280 = arith.muli %add3A_278, %mul3A_279 : i32
        %add3A_281 = arith.addi %mul3A_280, %add3A : i32
        %dma_start3A_282 = arith.constant 0 : i32
        %dma_start3A_283 = arith.constant 0 : i32
        %dma_start3A_284 = tpu.memref_slice %arg2[%add3A_281, %dma_start3A_282, %dma_start3A_283] : memref<2500x2x128xi32, #tpu.memory_space<hbm>> -> memref<1x1x128xi32, #tpu.memory_space<hbm>>
        %dma_start3A_285 = tpu.memref_squeeze %dma_start3A_284 : memref<1x1x128xi32, #tpu.memory_space<hbm>> -> memref<128xi32, #tpu.memory_space<hbm>>
        %dma_start3A_286 = arith.constant 0 : i32
        %dma_start3A_287 = tpu.memref_slice %arg2[%add3A_281, %dma_start3A_282, %dma_start3A_286] : memref<2500x2x128xi32, #tpu.memory_space<hbm>> -> memref<1x1x128xi32, #tpu.memory_space<hbm>>
        %dma_start3A_288 = tpu.memref_squeeze %dma_start3A_287 : memref<1x1x128xi32, #tpu.memory_space<hbm>> -> memref<128xi32, #tpu.memory_space<hbm>>
        tpu.enqueue_dma source(%dma_start3A_288 : memref<128xi32, #tpu.memory_space<hbm>>) target(%arg6 : memref<128xi32, #tpu.memory_space<vmem>>) target_semaphore(%arg16 : memref<!tpu.dma_semaphore, #tpu.memory_space<semaphore_mem>>)
      } else {
      }
      %lt3A_118 = arith.cmpi slt, %add3A_99, %select_n3A : i32
      %convert_element_type3A_119 = arith.extui %lt3A_118 : i1 to i32
      %cond3A_120 = arith.constant 0 : i32
      %cond3A_121 = arith.cmpi ne, %convert_element_type3A_119, %cond3A_120 : i32
      scf.if %cond3A_121 {
        %dma_wait3A_277 = arith.constant 0 : i32
        %dma_wait3A_278 = arith.constant 1 : i32
        %dma_wait3A_279 = arith.constant 0 : i32
        %dma_wait3A_280 = tpu.memref_slice %arg2[%dma_wait3A_277, %dma_wait3A_278, %dma_wait3A_279] : memref<2500x2x128xi32, #tpu.memory_space<hbm>> -> memref<1x1x128xi32, #tpu.memory_space<hbm>>
        %dma_wait3A_281 = tpu.memref_squeeze %dma_wait3A_280 : memref<1x1x128xi32, #tpu.memory_space<hbm>> -> memref<128xi32, #tpu.memory_space<hbm>>
        %dma_wait3A_282 = arith.constant 0 : i32
        %dma_wait3A_283 = tpu.memref_slice %arg2[%dma_wait3A_277, %dma_wait3A_278, %dma_wait3A_282] : memref<2500x2x128xi32, #tpu.memory_space<hbm>> -> memref<1x1x128xi32, #tpu.memory_space<hbm>>
        %dma_wait3A_284 = tpu.memref_squeeze %dma_wait3A_283 : memref<1x1x128xi32, #tpu.memory_space<hbm>> -> memref<128xi32, #tpu.memory_space<hbm>>
        tpu.wait_dma2 semaphore(%arg19 : memref<!tpu.dma_semaphore, #tpu.memory_space<semaphore_mem>>) src(%dma_wait3A_284 : memref<128xi32, #tpu.memory_space<hbm>>) dst(%arg9 : memref<128xi32, #tpu.memory_space<vmem>>)
        %dma_start3A_285 = arith.constant 0 : i32
        %dma_start3A_286 = arith.constant 0 : i32
        %dma_start3A_287 = tpu.memref_slice %arg15[%dma_start3A_285, %dma_start3A_286] : memref<10112x128xf32, #tpu.memory_space<vmem_shared>> -> memref<10112x128xf32, #tpu.memory_space<vmem_shared>>
        tpu.enqueue_indirect_dma source(%arg12 : memref<128x128xf32, #tpu.memory_space<vmem>>) target(%dma_start3A_287 : memref<10112x128xf32, #tpu.memory_space<vmem_shared>>) offsets(%arg9 : memref<128xi32, #tpu.memory_space<vmem>>) semaphore(%arg25 : memref<!tpu.dma_semaphore, #tpu.memory_space<semaphore_mem>>) {add = true}
      } else {
      }
      %mul3A_122 = arith.constant 6 : i32
      %mul3A_123 = arith.muli %scan3A_95, %mul3A_122 : i32
      %add3A_124 = arith.constant 1 : i32
      %add3A_125 = arith.addi %mul3A_123, %add3A_124 : i32
      %ge3A_126 = arith.constant 1 : i32
      %ge3A_127 = arith.cmpi sge, %add3A_125, %ge3A_126 : i32
      %le3A_128 = arith.cmpi sle, %add3A_125, %select_n3A : i32
      %and3A_129 = arith.andi %ge3A_127, %le3A_128 : i1
      %convert_element_type3A_130 = arith.extui %and3A_129 : i1 to i32
      %cond3A_131 = arith.constant 0 : i32
      %cond3A_132 = arith.cmpi ne, %convert_element_type3A_130, %cond3A_131 : i32
      scf.if %cond3A_132 {
        %dma_wait3A_277 = arith.constant 0 : i32
        %dma_wait3A_278 = arith.constant 0 : i32
        %dma_wait3A_279 = tpu.memref_slice %arg15[%dma_wait3A_277, %dma_wait3A_278] : memref<10112x128xf32, #tpu.memory_space<vmem_shared>> -> memref<10112x128xf32, #tpu.memory_space<vmem_shared>>
        tpu.wait_indirect_dma semaphore(%arg25 : memref<!tpu.dma_semaphore, #tpu.memory_space<semaphore_mem>>) src(%arg12 : memref<128x128xf32, #tpu.memory_space<vmem>>) dst(%dma_wait3A_279 : memref<10112x128xf32, #tpu.memory_space<vmem_shared>>)
      } else {
      }
      %add3A_133 = arith.constant 2 : i32
      %add3A_134 = arith.addi %add3A_125, %add3A_133 : i32
      %lt3A_135 = arith.cmpi slt, %add3A_134, %select_n3A : i32
      %convert_element_type3A_136 = arith.extui %lt3A_135 : i1 to i32
      %cond3A_137 = arith.constant 0 : i32
      %cond3A_138 = arith.cmpi ne, %convert_element_type3A_136, %cond3A_137 : i32
      scf.if %cond3A_138 {
        %dma_wait3A_277 = arith.constant 0 : i32
        %dma_wait3A_278 = arith.constant 0 : i32
        %dma_wait3A_279 = arith.constant 0 : i32
        %dma_wait3A_280 = tpu.memref_slice %arg2[%dma_wait3A_277, %dma_wait3A_278, %dma_wait3A_279] : memref<2500x2x128xi32, #tpu.memory_space<hbm>> -> memref<1x1x128xi32, #tpu.memory_space<hbm>>
        %dma_wait3A_281 = tpu.memref_squeeze %dma_wait3A_280 : memref<1x1x128xi32, #tpu.memory_space<hbm>> -> memref<128xi32, #tpu.memory_space<hbm>>
        %dma_wait3A_282 = arith.constant 0 : i32
        %dma_wait3A_283 = tpu.memref_slice %arg2[%dma_wait3A_277, %dma_wait3A_278, %dma_wait3A_282] : memref<2500x2x128xi32, #tpu.memory_space<hbm>> -> memref<1x1x128xi32, #tpu.memory_space<hbm>>
        %dma_wait3A_284 = tpu.memref_squeeze %dma_wait3A_283 : memref<1x1x128xi32, #tpu.memory_space<hbm>> -> memref<128xi32, #tpu.memory_space<hbm>>
        tpu.wait_dma2 semaphore(%arg16 : memref<!tpu.dma_semaphore, #tpu.memory_space<semaphore_mem>>) src(%dma_wait3A_284 : memref<128xi32, #tpu.memory_space<hbm>>) dst(%arg6 : memref<128xi32, #tpu.memory_space<vmem>>)
        %dma_start3A_285 = arith.constant 0 : i32
        %dma_start3A_286 = arith.constant 0 : i32
        %dma_start3A_287 = tpu.memref_slice %arg3[%dma_start3A_285, %dma_start3A_286] : memref<10000x128xf32, #tpu.memory_space<hbm>> -> memref<10000x128xf32, #tpu.memory_space<hbm>>
        tpu.enqueue_indirect_dma source(%dma_start3A_287 : memref<10000x128xf32, #tpu.memory_space<hbm>>) target(%arg12 : memref<128x128xf32, #tpu.memory_space<vmem>>) offsets(%arg6 : memref<128xi32, #tpu.memory_space<vmem>>) semaphore(%arg22 : memref<!tpu.dma_semaphore, #tpu.memory_space<semaphore_mem>>)
        %add3A_288 = arith.constant 2 : i32
        %add3A_289 = arith.addi %add3A_125, %add3A_288 : i32
        %mul3A_290 = arith.constant 32 : i32
        %mul3A_291 = arith.muli %add3A_289, %mul3A_290 : i32
        %add3A_292 = arith.addi %mul3A_291, %add3A : i32
        %dma_start3A_293 = arith.constant 1 : i32
        %dma_start3A_294 = arith.constant 0 : i32
        %dma_start3A_295 = tpu.memref_slice %arg2[%add3A_292, %dma_start3A_293, %dma_start3A_294] : memref<2500x2x128xi32, #tpu.memory_space<hbm>> -> memref<1x1x128xi32, #tpu.memory_space<hbm>>
        %dma_start3A_296 = tpu.memref_squeeze %dma_start3A_295 : memref<1x1x128xi32, #tpu.memory_space<hbm>> -> memref<128xi32, #tpu.memory_space<hbm>>
        %dma_start3A_297 = arith.constant 0 : i32
        %dma_start3A_298 = tpu.memref_slice %arg2[%add3A_292, %dma_start3A_293, %dma_start3A_297] : memref<2500x2x128xi32, #tpu.memory_space<hbm>> -> memref<1x1x128xi32, #tpu.memory_space<hbm>>
        %dma_start3A_299 = tpu.memref_squeeze %dma_start3A_298 : memref<1x1x128xi32, #tpu.memory_space<hbm>> -> memref<128xi32, #tpu.memory_space<hbm>>
        tpu.enqueue_dma source(%dma_start3A_299 : memref<128xi32, #tpu.memory_space<hbm>>) target(%arg9 : memref<128xi32, #tpu.memory_space<vmem>>) target_semaphore(%arg19 : memref<!tpu.dma_semaphore, #tpu.memory_space<semaphore_mem>>)
      } else {
      }
      %lt3A_139 = arith.cmpi slt, %add3A_125, %select_n3A : i32
      %convert_element_type3A_140 = arith.extui %lt3A_139 : i1 to i32
      %cond3A_141 = arith.constant 0 : i32
      %cond3A_142 = arith.cmpi ne, %convert_element_type3A_140, %cond3A_141 : i32
      scf.if %cond3A_142 {
        %dma_wait3A_277 = arith.constant 0 : i32
        %dma_wait3A_278 = arith.constant 0 : i32
        %dma_wait3A_279 = tpu.memref_slice %arg3[%dma_wait3A_277, %dma_wait3A_278] : memref<10000x128xf32, #tpu.memory_space<hbm>> -> memref<10000x128xf32, #tpu.memory_space<hbm>>
        tpu.wait_indirect_dma semaphore(%arg23 : memref<!tpu.dma_semaphore, #tpu.memory_space<semaphore_mem>>) src(%dma_wait3A_279 : memref<10000x128xf32, #tpu.memory_space<hbm>>) dst(%arg13 : memref<128x128xf32, #tpu.memory_space<vmem>>)
      } else {
      }
      %add3A_143 = arith.constant 3 : i32
      %add3A_144 = arith.addi %add3A_125, %add3A_143 : i32
      %lt3A_145 = arith.cmpi slt, %add3A_144, %select_n3A : i32
      %convert_element_type3A_146 = arith.extui %lt3A_145 : i1 to i32
      %cond3A_147 = arith.constant 0 : i32
      %cond3A_148 = arith.cmpi ne, %convert_element_type3A_146, %cond3A_147 : i32
      scf.if %cond3A_148 {
        %add3A_277 = arith.constant 3 : i32
        %add3A_278 = arith.addi %add3A_125, %add3A_277 : i32
        %mul3A_279 = arith.constant 32 : i32
        %mul3A_280 = arith.muli %add3A_278, %mul3A_279 : i32
        %add3A_281 = arith.addi %mul3A_280, %add3A : i32
        %dma_start3A_282 = arith.constant 0 : i32
        %dma_start3A_283 = arith.constant 0 : i32
        %dma_start3A_284 = tpu.memref_slice %arg2[%add3A_281, %dma_start3A_282, %dma_start3A_283] : memref<2500x2x128xi32, #tpu.memory_space<hbm>> -> memref<1x1x128xi32, #tpu.memory_space<hbm>>
        %dma_start3A_285 = tpu.memref_squeeze %dma_start3A_284 : memref<1x1x128xi32, #tpu.memory_space<hbm>> -> memref<128xi32, #tpu.memory_space<hbm>>
        %dma_start3A_286 = arith.constant 0 : i32
        %dma_start3A_287 = tpu.memref_slice %arg2[%add3A_281, %dma_start3A_282, %dma_start3A_286] : memref<2500x2x128xi32, #tpu.memory_space<hbm>> -> memref<1x1x128xi32, #tpu.memory_space<hbm>>
        %dma_start3A_288 = tpu.memref_squeeze %dma_start3A_287 : memref<1x1x128xi32, #tpu.memory_space<hbm>> -> memref<128xi32, #tpu.memory_space<hbm>>
        tpu.enqueue_dma source(%dma_start3A_288 : memref<128xi32, #tpu.memory_space<hbm>>) target(%arg7 : memref<128xi32, #tpu.memory_space<vmem>>) target_semaphore(%arg17 : memref<!tpu.dma_semaphore, #tpu.memory_space<semaphore_mem>>)
      } else {
      }
      %lt3A_149 = arith.cmpi slt, %add3A_125, %select_n3A : i32
      %convert_element_type3A_150 = arith.extui %lt3A_149 : i1 to i32
      %cond3A_151 = arith.constant 0 : i32
      %cond3A_152 = arith.cmpi ne, %convert_element_type3A_150, %cond3A_151 : i32
      scf.if %cond3A_152 {
        %dma_wait3A_277 = arith.constant 0 : i32
        %dma_wait3A_278 = arith.constant 1 : i32
        %dma_wait3A_279 = arith.constant 0 : i32
        %dma_wait3A_280 = tpu.memref_slice %arg2[%dma_wait3A_277, %dma_wait3A_278, %dma_wait3A_279] : memref<2500x2x128xi32, #tpu.memory_space<hbm>> -> memref<1x1x128xi32, #tpu.memory_space<hbm>>
        %dma_wait3A_281 = tpu.memref_squeeze %dma_wait3A_280 : memref<1x1x128xi32, #tpu.memory_space<hbm>> -> memref<128xi32, #tpu.memory_space<hbm>>
        %dma_wait3A_282 = arith.constant 0 : i32
        %dma_wait3A_283 = tpu.memref_slice %arg2[%dma_wait3A_277, %dma_wait3A_278, %dma_wait3A_282] : memref<2500x2x128xi32, #tpu.memory_space<hbm>> -> memref<1x1x128xi32, #tpu.memory_space<hbm>>
        %dma_wait3A_284 = tpu.memref_squeeze %dma_wait3A_283 : memref<1x1x128xi32, #tpu.memory_space<hbm>> -> memref<128xi32, #tpu.memory_space<hbm>>
        tpu.wait_dma2 semaphore(%arg20 : memref<!tpu.dma_semaphore, #tpu.memory_space<semaphore_mem>>) src(%dma_wait3A_284 : memref<128xi32, #tpu.memory_space<hbm>>) dst(%arg10 : memref<128xi32, #tpu.memory_space<vmem>>)
        %dma_start3A_285 = arith.constant 0 : i32
        %dma_start3A_286 = arith.constant 0 : i32
        %dma_start3A_287 = tpu.memref_slice %arg15[%dma_start3A_285, %dma_start3A_286] : memref<10112x128xf32, #tpu.memory_space<vmem_shared>> -> memref<10112x128xf32, #tpu.memory_space<vmem_shared>>
        tpu.enqueue_indirect_dma source(%arg13 : memref<128x128xf32, #tpu.memory_space<vmem>>) target(%dma_start3A_287 : memref<10112x128xf32, #tpu.memory_space<vmem_shared>>) offsets(%arg10 : memref<128xi32, #tpu.memory_space<vmem>>) semaphore(%arg25 : memref<!tpu.dma_semaphore, #tpu.memory_space<semaphore_mem>>) {add = true}
      } else {
      }
      %mul3A_153 = arith.constant 6 : i32
      %mul3A_154 = arith.muli %scan3A_95, %mul3A_153 : i32
      %add3A_155 = arith.constant 2 : i32
      %add3A_156 = arith.addi %mul3A_154, %add3A_155 : i32
      %ge3A_157 = arith.constant 1 : i32
      %ge3A_158 = arith.cmpi sge, %add3A_156, %ge3A_157 : i32
      %le3A_159 = arith.cmpi sle, %add3A_156, %select_n3A : i32
      %and3A_160 = arith.andi %ge3A_158, %le3A_159 : i1
      %convert_element_type3A_161 = arith.extui %and3A_160 : i1 to i32
      %cond3A_162 = arith.constant 0 : i32
      %cond3A_163 = arith.cmpi ne, %convert_element_type3A_161, %cond3A_162 : i32
      scf.if %cond3A_163 {
        %dma_wait3A_277 = arith.constant 0 : i32
        %dma_wait3A_278 = arith.constant 0 : i32
        %dma_wait3A_279 = tpu.memref_slice %arg15[%dma_wait3A_277, %dma_wait3A_278] : memref<10112x128xf32, #tpu.memory_space<vmem_shared>> -> memref<10112x128xf32, #tpu.memory_space<vmem_shared>>
        tpu.wait_indirect_dma semaphore(%arg25 : memref<!tpu.dma_semaphore, #tpu.memory_space<semaphore_mem>>) src(%arg12 : memref<128x128xf32, #tpu.memory_space<vmem>>) dst(%dma_wait3A_279 : memref<10112x128xf32, #tpu.memory_space<vmem_shared>>)
      } else {
      }
      %add3A_164 = arith.constant 2 : i32
      %add3A_165 = arith.addi %add3A_156, %add3A_164 : i32
      %lt3A_166 = arith.cmpi slt, %add3A_165, %select_n3A : i32
      %convert_element_type3A_167 = arith.extui %lt3A_166 : i1 to i32
      %cond3A_168 = arith.constant 0 : i32
      %cond3A_169 = arith.cmpi ne, %convert_element_type3A_167, %cond3A_168 : i32
      scf.if %cond3A_169 {
        %dma_wait3A_277 = arith.constant 0 : i32
        %dma_wait3A_278 = arith.constant 0 : i32
        %dma_wait3A_279 = arith.constant 0 : i32
        %dma_wait3A_280 = tpu.memref_slice %arg2[%dma_wait3A_277, %dma_wait3A_278, %dma_wait3A_279] : memref<2500x2x128xi32, #tpu.memory_space<hbm>> -> memref<1x1x128xi32, #tpu.memory_space<hbm>>
        %dma_wait3A_281 = tpu.memref_squeeze %dma_wait3A_280 : memref<1x1x128xi32, #tpu.memory_space<hbm>> -> memref<128xi32, #tpu.memory_space<hbm>>
        %dma_wait3A_282 = arith.constant 0 : i32
        %dma_wait3A_283 = tpu.memref_slice %arg2[%dma_wait3A_277, %dma_wait3A_278, %dma_wait3A_282] : memref<2500x2x128xi32, #tpu.memory_space<hbm>> -> memref<1x1x128xi32, #tpu.memory_space<hbm>>
        %dma_wait3A_284 = tpu.memref_squeeze %dma_wait3A_283 : memref<1x1x128xi32, #tpu.memory_space<hbm>> -> memref<128xi32, #tpu.memory_space<hbm>>
        tpu.wait_dma2 semaphore(%arg17 : memref<!tpu.dma_semaphore, #tpu.memory_space<semaphore_mem>>) src(%dma_wait3A_284 : memref<128xi32, #tpu.memory_space<hbm>>) dst(%arg7 : memref<128xi32, #tpu.memory_space<vmem>>)
        %dma_start3A_285 = arith.constant 0 : i32
        %dma_start3A_286 = arith.constant 0 : i32
        %dma_start3A_287 = tpu.memref_slice %arg3[%dma_start3A_285, %dma_start3A_286] : memref<10000x128xf32, #tpu.memory_space<hbm>> -> memref<10000x128xf32, #tpu.memory_space<hbm>>
        tpu.enqueue_indirect_dma source(%dma_start3A_287 : memref<10000x128xf32, #tpu.memory_space<hbm>>) target(%arg13 : memref<128x128xf32, #tpu.memory_space<vmem>>) offsets(%arg7 : memref<128xi32, #tpu.memory_space<vmem>>) semaphore(%arg23 : memref<!tpu.dma_semaphore, #tpu.memory_space<semaphore_mem>>)
        %add3A_288 = arith.constant 2 : i32
        %add3A_289 = arith.addi %add3A_156, %add3A_288 : i32
        %mul3A_290 = arith.constant 32 : i32
        %mul3A_291 = arith.muli %add3A_289, %mul3A_290 : i32
        %add3A_292 = arith.addi %mul3A_291, %add3A : i32
        %dma_start3A_293 = arith.constant 1 : i32
        %dma_start3A_294 = arith.constant 0 : i32
        %dma_start3A_295 = tpu.memref_slice %arg2[%add3A_292, %dma_start3A_293, %dma_start3A_294] : memref<2500x2x128xi32, #tpu.memory_space<hbm>> -> memref<1x1x128xi32, #tpu.memory_space<hbm>>
        %dma_start3A_296 = tpu.memref_squeeze %dma_start3A_295 : memref<1x1x128xi32, #tpu.memory_space<hbm>> -> memref<128xi32, #tpu.memory_space<hbm>>
        %dma_start3A_297 = arith.constant 0 : i32
        %dma_start3A_298 = tpu.memref_slice %arg2[%add3A_292, %dma_start3A_293, %dma_start3A_297] : memref<2500x2x128xi32, #tpu.memory_space<hbm>> -> memref<1x1x128xi32, #tpu.memory_space<hbm>>
        %dma_start3A_299 = tpu.memref_squeeze %dma_start3A_298 : memref<1x1x128xi32, #tpu.memory_space<hbm>> -> memref<128xi32, #tpu.memory_space<hbm>>
        tpu.enqueue_dma source(%dma_start3A_299 : memref<128xi32, #tpu.memory_space<hbm>>) target(%arg10 : memref<128xi32, #tpu.memory_space<vmem>>) target_semaphore(%arg20 : memref<!tpu.dma_semaphore, #tpu.memory_space<semaphore_mem>>)
      } else {
      }
      %lt3A_170 = arith.cmpi slt, %add3A_156, %select_n3A : i32
      %convert_element_type3A_171 = arith.extui %lt3A_170 : i1 to i32
      %cond3A_172 = arith.constant 0 : i32
      %cond3A_173 = arith.cmpi ne, %convert_element_type3A_171, %cond3A_172 : i32
      scf.if %cond3A_173 {
        %dma_wait3A_277 = arith.constant 0 : i32
        %dma_wait3A_278 = arith.constant 0 : i32
        %dma_wait3A_279 = tpu.memref_slice %arg3[%dma_wait3A_277, %dma_wait3A_278] : memref<10000x128xf32, #tpu.memory_space<hbm>> -> memref<10000x128xf32, #tpu.memory_space<hbm>>
        tpu.wait_indirect_dma semaphore(%arg24 : memref<!tpu.dma_semaphore, #tpu.memory_space<semaphore_mem>>) src(%dma_wait3A_279 : memref<10000x128xf32, #tpu.memory_space<hbm>>) dst(%arg14 : memref<128x128xf32, #tpu.memory_space<vmem>>)
      } else {
      }
      %add3A_174 = arith.constant 3 : i32
      %add3A_175 = arith.addi %add3A_156, %add3A_174 : i32
      %lt3A_176 = arith.cmpi slt, %add3A_175, %select_n3A : i32
      %convert_element_type3A_177 = arith.extui %lt3A_176 : i1 to i32
      %cond3A_178 = arith.constant 0 : i32
      %cond3A_179 = arith.cmpi ne, %convert_element_type3A_177, %cond3A_178 : i32
      scf.if %cond3A_179 {
        %add3A_277 = arith.constant 3 : i32
        %add3A_278 = arith.addi %add3A_156, %add3A_277 : i32
        %mul3A_279 = arith.constant 32 : i32
        %mul3A_280 = arith.muli %add3A_278, %mul3A_279 : i32
        %add3A_281 = arith.addi %mul3A_280, %add3A : i32
        %dma_start3A_282 = arith.constant 0 : i32
        %dma_start3A_283 = arith.constant 0 : i32
        %dma_start3A_284 = tpu.memref_slice %arg2[%add3A_281, %dma_start3A_282, %dma_start3A_283] : memref<2500x2x128xi32, #tpu.memory_space<hbm>> -> memref<1x1x128xi32, #tpu.memory_space<hbm>>
        %dma_start3A_285 = tpu.memref_squeeze %dma_start3A_284 : memref<1x1x128xi32, #tpu.memory_space<hbm>> -> memref<128xi32, #tpu.memory_space<hbm>>
        %dma_start3A_286 = arith.constant 0 : i32
        %dma_start3A_287 = tpu.memref_slice %arg2[%add3A_281, %dma_start3A_282, %dma_start3A_286] : memref<2500x2x128xi32, #tpu.memory_space<hbm>> -> memref<1x1x128xi32, #tpu.memory_space<hbm>>
        %dma_start3A_288 = tpu.memref_squeeze %dma_start3A_287 : memref<1x1x128xi32, #tpu.memory_space<hbm>> -> memref<128xi32, #tpu.memory_space<hbm>>
        tpu.enqueue_dma source(%dma_start3A_288 : memref<128xi32, #tpu.memory_space<hbm>>) target(%arg8 : memref<128xi32, #tpu.memory_space<vmem>>) target_semaphore(%arg18 : memref<!tpu.dma_semaphore, #tpu.memory_space<semaphore_mem>>)
      } else {
      }
      %lt3A_180 = arith.cmpi slt, %add3A_156, %select_n3A : i32
      %convert_element_type3A_181 = arith.extui %lt3A_180 : i1 to i32
      %cond3A_182 = arith.constant 0 : i32
      %cond3A_183 = arith.cmpi ne, %convert_element_type3A_181, %cond3A_182 : i32
      scf.if %cond3A_183 {
        %dma_wait3A_277 = arith.constant 0 : i32
        %dma_wait3A_278 = arith.constant 1 : i32
        %dma_wait3A_279 = arith.constant 0 : i32
        %dma_wait3A_280 = tpu.memref_slice %arg2[%dma_wait3A_277, %dma_wait3A_278, %dma_wait3A_279] : memref<2500x2x128xi32, #tpu.memory_space<hbm>> -> memref<1x1x128xi32, #tpu.memory_space<hbm>>
        %dma_wait3A_281 = tpu.memref_squeeze %dma_wait3A_280 : memref<1x1x128xi32, #tpu.memory_space<hbm>> -> memref<128xi32, #tpu.memory_space<hbm>>
        %dma_wait3A_282 = arith.constant 0 : i32
        %dma_wait3A_283 = tpu.memref_slice %arg2[%dma_wait3A_277, %dma_wait3A_278, %dma_wait3A_282] : memref<2500x2x128xi32, #tpu.memory_space<hbm>> -> memref<1x1x128xi32, #tpu.memory_space<hbm>>
        %dma_wait3A_284 = tpu.memref_squeeze %dma_wait3A_283 : memref<1x1x128xi32, #tpu.memory_space<hbm>> -> memref<128xi32, #tpu.memory_space<hbm>>
        tpu.wait_dma2 semaphore(%arg21 : memref<!tpu.dma_semaphore, #tpu.memory_space<semaphore_mem>>) src(%dma_wait3A_284 : memref<128xi32, #tpu.memory_space<hbm>>) dst(%arg11 : memref<128xi32, #tpu.memory_space<vmem>>)
        %dma_start3A_285 = arith.constant 0 : i32
        %dma_start3A_286 = arith.constant 0 : i32
        %dma_start3A_287 = tpu.memref_slice %arg15[%dma_start3A_285, %dma_start3A_286] : memref<10112x128xf32, #tpu.memory_space<vmem_shared>> -> memref<10112x128xf32, #tpu.memory_space<vmem_shared>>
        tpu.enqueue_indirect_dma source(%arg14 : memref<128x128xf32, #tpu.memory_space<vmem>>) target(%dma_start3A_287 : memref<10112x128xf32, #tpu.memory_space<vmem_shared>>) offsets(%arg11 : memref<128xi32, #tpu.memory_space<vmem>>) semaphore(%arg25 : memref<!tpu.dma_semaphore, #tpu.memory_space<semaphore_mem>>) {add = true}
      } else {
      }
      %mul3A_184 = arith.constant 6 : i32
      %mul3A_185 = arith.muli %scan3A_95, %mul3A_184 : i32
      %add3A_186 = arith.constant 3 : i32
      %add3A_187 = arith.addi %mul3A_185, %add3A_186 : i32
      %ge3A_188 = arith.constant 1 : i32
      %ge3A_189 = arith.cmpi sge, %add3A_187, %ge3A_188 : i32
      %le3A_190 = arith.cmpi sle, %add3A_187, %select_n3A : i32
      %and3A_191 = arith.andi %ge3A_189, %le3A_190 : i1
      %convert_element_type3A_192 = arith.extui %and3A_191 : i1 to i32
      %cond3A_193 = arith.constant 0 : i32
      %cond3A_194 = arith.cmpi ne, %convert_element_type3A_192, %cond3A_193 : i32
      scf.if %cond3A_194 {
        %dma_wait3A_277 = arith.constant 0 : i32
        %dma_wait3A_278 = arith.constant 0 : i32
        %dma_wait3A_279 = tpu.memref_slice %arg15[%dma_wait3A_277, %dma_wait3A_278] : memref<10112x128xf32, #tpu.memory_space<vmem_shared>> -> memref<10112x128xf32, #tpu.memory_space<vmem_shared>>
        tpu.wait_indirect_dma semaphore(%arg25 : memref<!tpu.dma_semaphore, #tpu.memory_space<semaphore_mem>>) src(%arg12 : memref<128x128xf32, #tpu.memory_space<vmem>>) dst(%dma_wait3A_279 : memref<10112x128xf32, #tpu.memory_space<vmem_shared>>)
      } else {
      }
      %add3A_195 = arith.constant 2 : i32
      %add3A_196 = arith.addi %add3A_187, %add3A_195 : i32
      %lt3A_197 = arith.cmpi slt, %add3A_196, %select_n3A : i32
      %convert_element_type3A_198 = arith.extui %lt3A_197 : i1 to i32
      %cond3A_199 = arith.constant 0 : i32
      %cond3A_200 = arith.cmpi ne, %convert_element_type3A_198, %cond3A_199 : i32
      scf.if %cond3A_200 {
        %dma_wait3A_277 = arith.constant 0 : i32
        %dma_wait3A_278 = arith.constant 0 : i32
        %dma_wait3A_279 = arith.constant 0 : i32
        %dma_wait3A_280 = tpu.memref_slice %arg2[%dma_wait3A_277, %dma_wait3A_278, %dma_wait3A_279] : memref<2500x2x128xi32, #tpu.memory_space<hbm>> -> memref<1x1x128xi32, #tpu.memory_space<hbm>>
        %dma_wait3A_281 = tpu.memref_squeeze %dma_wait3A_280 : memref<1x1x128xi32, #tpu.memory_space<hbm>> -> memref<128xi32, #tpu.memory_space<hbm>>
        %dma_wait3A_282 = arith.constant 0 : i32
        %dma_wait3A_283 = tpu.memref_slice %arg2[%dma_wait3A_277, %dma_wait3A_278, %dma_wait3A_282] : memref<2500x2x128xi32, #tpu.memory_space<hbm>> -> memref<1x1x128xi32, #tpu.memory_space<hbm>>
        %dma_wait3A_284 = tpu.memref_squeeze %dma_wait3A_283 : memref<1x1x128xi32, #tpu.memory_space<hbm>> -> memref<128xi32, #tpu.memory_space<hbm>>
        tpu.wait_dma2 semaphore(%arg18 : memref<!tpu.dma_semaphore, #tpu.memory_space<semaphore_mem>>) src(%dma_wait3A_284 : memref<128xi32, #tpu.memory_space<hbm>>) dst(%arg8 : memref<128xi32, #tpu.memory_space<vmem>>)
        %dma_start3A_285 = arith.constant 0 : i32
        %dma_start3A_286 = arith.constant 0 : i32
        %dma_start3A_287 = tpu.memref_slice %arg3[%dma_start3A_285, %dma_start3A_286] : memref<10000x128xf32, #tpu.memory_space<hbm>> -> memref<10000x128xf32, #tpu.memory_space<hbm>>
        tpu.enqueue_indirect_dma source(%dma_start3A_287 : memref<10000x128xf32, #tpu.memory_space<hbm>>) target(%arg14 : memref<128x128xf32, #tpu.memory_space<vmem>>) offsets(%arg8 : memref<128xi32, #tpu.memory_space<vmem>>) semaphore(%arg24 : memref<!tpu.dma_semaphore, #tpu.memory_space<semaphore_mem>>)
        %add3A_288 = arith.constant 2 : i32
        %add3A_289 = arith.addi %add3A_187, %add3A_288 : i32
        %mul3A_290 = arith.constant 32 : i32
        %mul3A_291 = arith.muli %add3A_289, %mul3A_290 : i32
        %add3A_292 = arith.addi %mul3A_291, %add3A : i32
        %dma_start3A_293 = arith.constant 1 : i32
        %dma_start3A_294 = arith.constant 0 : i32
        %dma_start3A_295 = tpu.memref_slice %arg2[%add3A_292, %dma_start3A_293, %dma_start3A_294] : memref<2500x2x128xi32, #tpu.memory_space<hbm>> -> memref<1x1x128xi32, #tpu.memory_space<hbm>>
        %dma_start3A_296 = tpu.memref_squeeze %dma_start3A_295 : memref<1x1x128xi32, #tpu.memory_space<hbm>> -> memref<128xi32, #tpu.memory_space<hbm>>
        %dma_start3A_297 = arith.constant 0 : i32
        %dma_start3A_298 = tpu.memref_slice %arg2[%add3A_292, %dma_start3A_293, %dma_start3A_297] : memref<2500x2x128xi32, #tpu.memory_space<hbm>> -> memref<1x1x128xi32, #tpu.memory_space<hbm>>
        %dma_start3A_299 = tpu.memref_squeeze %dma_start3A_298 : memref<1x1x128xi32, #tpu.memory_space<hbm>> -> memref<128xi32, #tpu.memory_space<hbm>>
        tpu.enqueue_dma source(%dma_start3A_299 : memref<128xi32, #tpu.memory_space<hbm>>) target(%arg11 : memref<128xi32, #tpu.memory_space<vmem>>) target_semaphore(%arg21 : memref<!tpu.dma_semaphore, #tpu.memory_space<semaphore_mem>>)
      } else {
      }
      %lt3A_201 = arith.cmpi slt, %add3A_187, %select_n3A : i32
      %convert_element_type3A_202 = arith.extui %lt3A_201 : i1 to i32
      %cond3A_203 = arith.constant 0 : i32
      %cond3A_204 = arith.cmpi ne, %convert_element_type3A_202, %cond3A_203 : i32
      scf.if %cond3A_204 {
        %dma_wait3A_277 = arith.constant 0 : i32
        %dma_wait3A_278 = arith.constant 0 : i32
        %dma_wait3A_279 = tpu.memref_slice %arg3[%dma_wait3A_277, %dma_wait3A_278] : memref<10000x128xf32, #tpu.memory_space<hbm>> -> memref<10000x128xf32, #tpu.memory_space<hbm>>
        tpu.wait_indirect_dma semaphore(%arg22 : memref<!tpu.dma_semaphore, #tpu.memory_space<semaphore_mem>>) src(%dma_wait3A_279 : memref<10000x128xf32, #tpu.memory_space<hbm>>) dst(%arg12 : memref<128x128xf32, #tpu.memory_space<vmem>>)
      } else {
      }
      %add3A_205 = arith.constant 3 : i32
      %add3A_206 = arith.addi %add3A_187, %add3A_205 : i32
      %lt3A_207 = arith.cmpi slt, %add3A_206, %select_n3A : i32
      %convert_element_type3A_208 = arith.extui %lt3A_207 : i1 to i32
      %cond3A_209 = arith.constant 0 : i32
      %cond3A_210 = arith.cmpi ne, %convert_element_type3A_208, %cond3A_209 : i32
      scf.if %cond3A_210 {
        %add3A_277 = arith.constant 3 : i32
        %add3A_278 = arith.addi %add3A_187, %add3A_277 : i32
        %mul3A_279 = arith.constant 32 : i32
        %mul3A_280 = arith.muli %add3A_278, %mul3A_279 : i32
        %add3A_281 = arith.addi %mul3A_280, %add3A : i32
        %dma_start3A_282 = arith.constant 0 : i32
        %dma_start3A_283 = arith.constant 0 : i32
        %dma_start3A_284 = tpu.memref_slice %arg2[%add3A_281, %dma_start3A_282, %dma_start3A_283] : memref<2500x2x128xi32, #tpu.memory_space<hbm>> -> memref<1x1x128xi32, #tpu.memory_space<hbm>>
        %dma_start3A_285 = tpu.memref_squeeze %dma_start3A_284 : memref<1x1x128xi32, #tpu.memory_space<hbm>> -> memref<128xi32, #tpu.memory_space<hbm>>
        %dma_start3A_286 = arith.constant 0 : i32
        %dma_start3A_287 = tpu.memref_slice %arg2[%add3A_281, %dma_start3A_282, %dma_start3A_286] : memref<2500x2x128xi32, #tpu.memory_space<hbm>> -> memref<1x1x128xi32, #tpu.memory_space<hbm>>
        %dma_start3A_288 = tpu.memref_squeeze %dma_start3A_287 : memref<1x1x128xi32, #tpu.memory_space<hbm>> -> memref<128xi32, #tpu.memory_space<hbm>>
        tpu.enqueue_dma source(%dma_start3A_288 : memref<128xi32, #tpu.memory_space<hbm>>) target(%arg6 : memref<128xi32, #tpu.memory_space<vmem>>) target_semaphore(%arg16 : memref<!tpu.dma_semaphore, #tpu.memory_space<semaphore_mem>>)
      } else {
      }
      %lt3A_211 = arith.cmpi slt, %add3A_187, %select_n3A : i32
      %convert_element_type3A_212 = arith.extui %lt3A_211 : i1 to i32
      %cond3A_213 = arith.constant 0 : i32
      %cond3A_214 = arith.cmpi ne, %convert_element_type3A_212, %cond3A_213 : i32
      scf.if %cond3A_214 {
        %dma_wait3A_277 = arith.constant 0 : i32
        %dma_wait3A_278 = arith.constant 1 : i32
        %dma_wait3A_279 = arith.constant 0 : i32
        %dma_wait3A_280 = tpu.memref_slice %arg2[%dma_wait3A_277, %dma_wait3A_278, %dma_wait3A_279] : memref<2500x2x128xi32, #tpu.memory_space<hbm>> -> memref<1x1x128xi32, #tpu.memory_space<hbm>>
        %dma_wait3A_281 = tpu.memref_squeeze %dma_wait3A_280 : memref<1x1x128xi32, #tpu.memory_space<hbm>> -> memref<128xi32, #tpu.memory_space<hbm>>
        %dma_wait3A_282 = arith.constant 0 : i32
        %dma_wait3A_283 = tpu.memref_slice %arg2[%dma_wait3A_277, %dma_wait3A_278, %dma_wait3A_282] : memref<2500x2x128xi32, #tpu.memory_space<hbm>> -> memref<1x1x128xi32, #tpu.memory_space<hbm>>
        %dma_wait3A_284 = tpu.memref_squeeze %dma_wait3A_283 : memref<1x1x128xi32, #tpu.memory_space<hbm>> -> memref<128xi32, #tpu.memory_space<hbm>>
        tpu.wait_dma2 semaphore(%arg19 : memref<!tpu.dma_semaphore, #tpu.memory_space<semaphore_mem>>) src(%dma_wait3A_284 : memref<128xi32, #tpu.memory_space<hbm>>) dst(%arg9 : memref<128xi32, #tpu.memory_space<vmem>>)
        %dma_start3A_285 = arith.constant 0 : i32
        %dma_start3A_286 = arith.constant 0 : i32
        %dma_start3A_287 = tpu.memref_slice %arg15[%dma_start3A_285, %dma_start3A_286] : memref<10112x128xf32, #tpu.memory_space<vmem_shared>> -> memref<10112x128xf32, #tpu.memory_space<vmem_shared>>
        tpu.enqueue_indirect_dma source(%arg12 : memref<128x128xf32, #tpu.memory_space<vmem>>) target(%dma_start3A_287 : memref<10112x128xf32, #tpu.memory_space<vmem_shared>>) offsets(%arg9 : memref<128xi32, #tpu.memory_space<vmem>>) semaphore(%arg25 : memref<!tpu.dma_semaphore, #tpu.memory_space<semaphore_mem>>) {add = true}
      } else {
      }
      %mul3A_215 = arith.constant 6 : i32
      %mul3A_216 = arith.muli %scan3A_95, %mul3A_215 : i32
      %add3A_217 = arith.constant 4 : i32
      %add3A_218 = arith.addi %mul3A_216, %add3A_217 : i32
      %ge3A_219 = arith.constant 1 : i32
      %ge3A_220 = arith.cmpi sge, %add3A_218, %ge3A_219 : i32
      %le3A_221 = arith.cmpi sle, %add3A_218, %select_n3A : i32
      %and3A_222 = arith.andi %ge3A_220, %le3A_221 : i1
      %convert_element_type3A_223 = arith.extui %and3A_222 : i1 to i32
      %cond3A_224 = arith.constant 0 : i32
      %cond3A_225 = arith.cmpi ne, %convert_element_type3A_223, %cond3A_224 : i32
      scf.if %cond3A_225 {
        %dma_wait3A_277 = arith.constant 0 : i32
        %dma_wait3A_278 = arith.constant 0 : i32
        %dma_wait3A_279 = tpu.memref_slice %arg15[%dma_wait3A_277, %dma_wait3A_278] : memref<10112x128xf32, #tpu.memory_space<vmem_shared>> -> memref<10112x128xf32, #tpu.memory_space<vmem_shared>>
        tpu.wait_indirect_dma semaphore(%arg25 : memref<!tpu.dma_semaphore, #tpu.memory_space<semaphore_mem>>) src(%arg12 : memref<128x128xf32, #tpu.memory_space<vmem>>) dst(%dma_wait3A_279 : memref<10112x128xf32, #tpu.memory_space<vmem_shared>>)
      } else {
      }
      %add3A_226 = arith.constant 2 : i32
      %add3A_227 = arith.addi %add3A_218, %add3A_226 : i32
      %lt3A_228 = arith.cmpi slt, %add3A_227, %select_n3A : i32
      %convert_element_type3A_229 = arith.extui %lt3A_228 : i1 to i32
      %cond3A_230 = arith.constant 0 : i32
      %cond3A_231 = arith.cmpi ne, %convert_element_type3A_229, %cond3A_230 : i32
      scf.if %cond3A_231 {
        %dma_wait3A_277 = arith.constant 0 : i32
        %dma_wait3A_278 = arith.constant 0 : i32
        %dma_wait3A_279 = arith.constant 0 : i32
        %dma_wait3A_280 = tpu.memref_slice %arg2[%dma_wait3A_277, %dma_wait3A_278, %dma_wait3A_279] : memref<2500x2x128xi32, #tpu.memory_space<hbm>> -> memref<1x1x128xi32, #tpu.memory_space<hbm>>
        %dma_wait3A_281 = tpu.memref_squeeze %dma_wait3A_280 : memref<1x1x128xi32, #tpu.memory_space<hbm>> -> memref<128xi32, #tpu.memory_space<hbm>>
        %dma_wait3A_282 = arith.constant 0 : i32
        %dma_wait3A_283 = tpu.memref_slice %arg2[%dma_wait3A_277, %dma_wait3A_278, %dma_wait3A_282] : memref<2500x2x128xi32, #tpu.memory_space<hbm>> -> memref<1x1x128xi32, #tpu.memory_space<hbm>>
        %dma_wait3A_284 = tpu.memref_squeeze %dma_wait3A_283 : memref<1x1x128xi32, #tpu.memory_space<hbm>> -> memref<128xi32, #tpu.memory_space<hbm>>
        tpu.wait_dma2 semaphore(%arg16 : memref<!tpu.dma_semaphore, #tpu.memory_space<semaphore_mem>>) src(%dma_wait3A_284 : memref<128xi32, #tpu.memory_space<hbm>>) dst(%arg6 : memref<128xi32, #tpu.memory_space<vmem>>)
        %dma_start3A_285 = arith.constant 0 : i32
        %dma_start3A_286 = arith.constant 0 : i32
        %dma_start3A_287 = tpu.memref_slice %arg3[%dma_start3A_285, %dma_start3A_286] : memref<10000x128xf32, #tpu.memory_space<hbm>> -> memref<10000x128xf32, #tpu.memory_space<hbm>>
        tpu.enqueue_indirect_dma source(%dma_start3A_287 : memref<10000x128xf32, #tpu.memory_space<hbm>>) target(%arg12 : memref<128x128xf32, #tpu.memory_space<vmem>>) offsets(%arg6 : memref<128xi32, #tpu.memory_space<vmem>>) semaphore(%arg22 : memref<!tpu.dma_semaphore, #tpu.memory_space<semaphore_mem>>)
        %add3A_288 = arith.constant 2 : i32
        %add3A_289 = arith.addi %add3A_218, %add3A_288 : i32
        %mul3A_290 = arith.constant 32 : i32
        %mul3A_291 = arith.muli %add3A_289, %mul3A_290 : i32
        %add3A_292 = arith.addi %mul3A_291, %add3A : i32
        %dma_start3A_293 = arith.constant 1 : i32
        %dma_start3A_294 = arith.constant 0 : i32
        %dma_start3A_295 = tpu.memref_slice %arg2[%add3A_292, %dma_start3A_293, %dma_start3A_294] : memref<2500x2x128xi32, #tpu.memory_space<hbm>> -> memref<1x1x128xi32, #tpu.memory_space<hbm>>
        %dma_start3A_296 = tpu.memref_squeeze %dma_start3A_295 : memref<1x1x128xi32, #tpu.memory_space<hbm>> -> memref<128xi32, #tpu.memory_space<hbm>>
        %dma_start3A_297 = arith.constant 0 : i32
        %dma_start3A_298 = tpu.memref_slice %arg2[%add3A_292, %dma_start3A_293, %dma_start3A_297] : memref<2500x2x128xi32, #tpu.memory_space<hbm>> -> memref<1x1x128xi32, #tpu.memory_space<hbm>>
        %dma_start3A_299 = tpu.memref_squeeze %dma_start3A_298 : memref<1x1x128xi32, #tpu.memory_space<hbm>> -> memref<128xi32, #tpu.memory_space<hbm>>
        tpu.enqueue_dma source(%dma_start3A_299 : memref<128xi32, #tpu.memory_space<hbm>>) target(%arg9 : memref<128xi32, #tpu.memory_space<vmem>>) target_semaphore(%arg19 : memref<!tpu.dma_semaphore, #tpu.memory_space<semaphore_mem>>)
      } else {
      }
      %lt3A_232 = arith.cmpi slt, %add3A_218, %select_n3A : i32
      %convert_element_type3A_233 = arith.extui %lt3A_232 : i1 to i32
      %cond3A_234 = arith.constant 0 : i32
      %cond3A_235 = arith.cmpi ne, %convert_element_type3A_233, %cond3A_234 : i32
      scf.if %cond3A_235 {
        %dma_wait3A_277 = arith.constant 0 : i32
        %dma_wait3A_278 = arith.constant 0 : i32
        %dma_wait3A_279 = tpu.memref_slice %arg3[%dma_wait3A_277, %dma_wait3A_278] : memref<10000x128xf32, #tpu.memory_space<hbm>> -> memref<10000x128xf32, #tpu.memory_space<hbm>>
        tpu.wait_indirect_dma semaphore(%arg23 : memref<!tpu.dma_semaphore, #tpu.memory_space<semaphore_mem>>) src(%dma_wait3A_279 : memref<10000x128xf32, #tpu.memory_space<hbm>>) dst(%arg13 : memref<128x128xf32, #tpu.memory_space<vmem>>)
      } else {
      }
      %add3A_236 = arith.constant 3 : i32
      %add3A_237 = arith.addi %add3A_218, %add3A_236 : i32
      %lt3A_238 = arith.cmpi slt, %add3A_237, %select_n3A : i32
      %convert_element_type3A_239 = arith.extui %lt3A_238 : i1 to i32
      %cond3A_240 = arith.constant 0 : i32
      %cond3A_241 = arith.cmpi ne, %convert_element_type3A_239, %cond3A_240 : i32
      scf.if %cond3A_241 {
        %add3A_277 = arith.constant 3 : i32
        %add3A_278 = arith.addi %add3A_218, %add3A_277 : i32
        %mul3A_279 = arith.constant 32 : i32
        %mul3A_280 = arith.muli %add3A_278, %mul3A_279 : i32
        %add3A_281 = arith.addi %mul3A_280, %add3A : i32
        %dma_start3A_282 = arith.constant 0 : i32
        %dma_start3A_283 = arith.constant 0 : i32
        %dma_start3A_284 = tpu.memref_slice %arg2[%add3A_281, %dma_start3A_282, %dma_start3A_283] : memref<2500x2x128xi32, #tpu.memory_space<hbm>> -> memref<1x1x128xi32, #tpu.memory_space<hbm>>
        %dma_start3A_285 = tpu.memref_squeeze %dma_start3A_284 : memref<1x1x128xi32, #tpu.memory_space<hbm>> -> memref<128xi32, #tpu.memory_space<hbm>>
        %dma_start3A_286 = arith.constant 0 : i32
        %dma_start3A_287 = tpu.memref_slice %arg2[%add3A_281, %dma_start3A_282, %dma_start3A_286] : memref<2500x2x128xi32, #tpu.memory_space<hbm>> -> memref<1x1x128xi32, #tpu.memory_space<hbm>>
        %dma_start3A_288 = tpu.memref_squeeze %dma_start3A_287 : memref<1x1x128xi32, #tpu.memory_space<hbm>> -> memref<128xi32, #tpu.memory_space<hbm>>
        tpu.enqueue_dma source(%dma_start3A_288 : memref<128xi32, #tpu.memory_space<hbm>>) target(%arg7 : memref<128xi32, #tpu.memory_space<vmem>>) target_semaphore(%arg17 : memref<!tpu.dma_semaphore, #tpu.memory_space<semaphore_mem>>)
      } else {
      }
      %lt3A_242 = arith.cmpi slt, %add3A_218, %select_n3A : i32
      %convert_element_type3A_243 = arith.extui %lt3A_242 : i1 to i32
      %cond3A_244 = arith.constant 0 : i32
      %cond3A_245 = arith.cmpi ne, %convert_element_type3A_243, %cond3A_244 : i32
      scf.if %cond3A_245 {
        %dma_wait3A_277 = arith.constant 0 : i32
        %dma_wait3A_278 = arith.constant 1 : i32
        %dma_wait3A_279 = arith.constant 0 : i32
        %dma_wait3A_280 = tpu.memref_slice %arg2[%dma_wait3A_277, %dma_wait3A_278, %dma_wait3A_279] : memref<2500x2x128xi32, #tpu.memory_space<hbm>> -> memref<1x1x128xi32, #tpu.memory_space<hbm>>
        %dma_wait3A_281 = tpu.memref_squeeze %dma_wait3A_280 : memref<1x1x128xi32, #tpu.memory_space<hbm>> -> memref<128xi32, #tpu.memory_space<hbm>>
        %dma_wait3A_282 = arith.constant 0 : i32
        %dma_wait3A_283 = tpu.memref_slice %arg2[%dma_wait3A_277, %dma_wait3A_278, %dma_wait3A_282] : memref<2500x2x128xi32, #tpu.memory_space<hbm>> -> memref<1x1x128xi32, #tpu.memory_space<hbm>>
        %dma_wait3A_284 = tpu.memref_squeeze %dma_wait3A_283 : memref<1x1x128xi32, #tpu.memory_space<hbm>> -> memref<128xi32, #tpu.memory_space<hbm>>
        tpu.wait_dma2 semaphore(%arg20 : memref<!tpu.dma_semaphore, #tpu.memory_space<semaphore_mem>>) src(%dma_wait3A_284 : memref<128xi32, #tpu.memory_space<hbm>>) dst(%arg10 : memref<128xi32, #tpu.memory_space<vmem>>)
        %dma_start3A_285 = arith.constant 0 : i32
        %dma_start3A_286 = arith.constant 0 : i32
        %dma_start3A_287 = tpu.memref_slice %arg15[%dma_start3A_285, %dma_start3A_286] : memref<10112x128xf32, #tpu.memory_space<vmem_shared>> -> memref<10112x128xf32, #tpu.memory_space<vmem_shared>>
        tpu.enqueue_indirect_dma source(%arg13 : memref<128x128xf32, #tpu.memory_space<vmem>>) target(%dma_start3A_287 : memref<10112x128xf32, #tpu.memory_space<vmem_shared>>) offsets(%arg10 : memref<128xi32, #tpu.memory_space<vmem>>) semaphore(%arg25 : memref<!tpu.dma_semaphore, #tpu.memory_space<semaphore_mem>>) {add = true}
      } else {
      }
      %mul3A_246 = arith.constant 6 : i32
      %mul3A_247 = arith.muli %scan3A_95, %mul3A_246 : i32
      %add3A_248 = arith.constant 5 : i32
      %add3A_249 = arith.addi %mul3A_247, %add3A_248 : i32
      %ge3A_250 = arith.constant 1 : i32
      %ge3A_251 = arith.cmpi sge, %add3A_249, %ge3A_250 : i32
      %le3A_252 = arith.cmpi sle, %add3A_249, %select_n3A : i32
      %and3A_253 = arith.andi %ge3A_251, %le3A_252 : i1
      %convert_element_type3A_254 = arith.extui %and3A_253 : i1 to i32
      %cond3A_255 = arith.constant 0 : i32
      %cond3A_256 = arith.cmpi ne, %convert_element_type3A_254, %cond3A_255 : i32
      scf.if %cond3A_256 {
        %dma_wait3A_277 = arith.constant 0 : i32
        %dma_wait3A_278 = arith.constant 0 : i32
        %dma_wait3A_279 = tpu.memref_slice %arg15[%dma_wait3A_277, %dma_wait3A_278] : memref<10112x128xf32, #tpu.memory_space<vmem_shared>> -> memref<10112x128xf32, #tpu.memory_space<vmem_shared>>
        tpu.wait_indirect_dma semaphore(%arg25 : memref<!tpu.dma_semaphore, #tpu.memory_space<semaphore_mem>>) src(%arg12 : memref<128x128xf32, #tpu.memory_space<vmem>>) dst(%dma_wait3A_279 : memref<10112x128xf32, #tpu.memory_space<vmem_shared>>)
      } else {
      }
      %add3A_257 = arith.constant 2 : i32
      %add3A_258 = arith.addi %add3A_249, %add3A_257 : i32
      %lt3A_259 = arith.cmpi slt, %add3A_258, %select_n3A : i32
      %convert_element_type3A_260 = arith.extui %lt3A_259 : i1 to i32
      %cond3A_261 = arith.constant 0 : i32
      %cond3A_262 = arith.cmpi ne, %convert_element_type3A_260, %cond3A_261 : i32
      scf.if %cond3A_262 {
        %dma_wait3A_277 = arith.constant 0 : i32
        %dma_wait3A_278 = arith.constant 0 : i32
        %dma_wait3A_279 = arith.constant 0 : i32
        %dma_wait3A_280 = tpu.memref_slice %arg2[%dma_wait3A_277, %dma_wait3A_278, %dma_wait3A_279] : memref<2500x2x128xi32, #tpu.memory_space<hbm>> -> memref<1x1x128xi32, #tpu.memory_space<hbm>>
        %dma_wait3A_281 = tpu.memref_squeeze %dma_wait3A_280 : memref<1x1x128xi32, #tpu.memory_space<hbm>> -> memref<128xi32, #tpu.memory_space<hbm>>
        %dma_wait3A_282 = arith.constant 0 : i32
        %dma_wait3A_283 = tpu.memref_slice %arg2[%dma_wait3A_277, %dma_wait3A_278, %dma_wait3A_282] : memref<2500x2x128xi32, #tpu.memory_space<hbm>> -> memref<1x1x128xi32, #tpu.memory_space<hbm>>
        %dma_wait3A_284 = tpu.memref_squeeze %dma_wait3A_283 : memref<1x1x128xi32, #tpu.memory_space<hbm>> -> memref<128xi32, #tpu.memory_space<hbm>>
        tpu.wait_dma2 semaphore(%arg17 : memref<!tpu.dma_semaphore, #tpu.memory_space<semaphore_mem>>) src(%dma_wait3A_284 : memref<128xi32, #tpu.memory_space<hbm>>) dst(%arg7 : memref<128xi32, #tpu.memory_space<vmem>>)
        %dma_start3A_285 = arith.constant 0 : i32
        %dma_start3A_286 = arith.constant 0 : i32
        %dma_start3A_287 = tpu.memref_slice %arg3[%dma_start3A_285, %dma_start3A_286] : memref<10000x128xf32, #tpu.memory_space<hbm>> -> memref<10000x128xf32, #tpu.memory_space<hbm>>
        tpu.enqueue_indirect_dma source(%dma_start3A_287 : memref<10000x128xf32, #tpu.memory_space<hbm>>) target(%arg13 : memref<128x128xf32, #tpu.memory_space<vmem>>) offsets(%arg7 : memref<128xi32, #tpu.memory_space<vmem>>) semaphore(%arg23 : memref<!tpu.dma_semaphore, #tpu.memory_space<semaphore_mem>>)
        %add3A_288 = arith.constant 2 : i32
        %add3A_289 = arith.addi %add3A_249, %add3A_288 : i32
        %mul3A_290 = arith.constant 32 : i32
        %mul3A_291 = arith.muli %add3A_289, %mul3A_290 : i32
        %add3A_292 = arith.addi %mul3A_291, %add3A : i32
        %dma_start3A_293 = arith.constant 1 : i32
        %dma_start3A_294 = arith.constant 0 : i32
        %dma_start3A_295 = tpu.memref_slice %arg2[%add3A_292, %dma_start3A_293, %dma_start3A_294] : memref<2500x2x128xi32, #tpu.memory_space<hbm>> -> memref<1x1x128xi32, #tpu.memory_space<hbm>>
        %dma_start3A_296 = tpu.memref_squeeze %dma_start3A_295 : memref<1x1x128xi32, #tpu.memory_space<hbm>> -> memref<128xi32, #tpu.memory_space<hbm>>
        %dma_start3A_297 = arith.constant 0 : i32
        %dma_start3A_298 = tpu.memref_slice %arg2[%add3A_292, %dma_start3A_293, %dma_start3A_297] : memref<2500x2x128xi32, #tpu.memory_space<hbm>> -> memref<1x1x128xi32, #tpu.memory_space<hbm>>
        %dma_start3A_299 = tpu.memref_squeeze %dma_start3A_298 : memref<1x1x128xi32, #tpu.memory_space<hbm>> -> memref<128xi32, #tpu.memory_space<hbm>>
        tpu.enqueue_dma source(%dma_start3A_299 : memref<128xi32, #tpu.memory_space<hbm>>) target(%arg10 : memref<128xi32, #tpu.memory_space<vmem>>) target_semaphore(%arg20 : memref<!tpu.dma_semaphore, #tpu.memory_space<semaphore_mem>>)
      } else {
      }
      %lt3A_263 = arith.cmpi slt, %add3A_249, %select_n3A : i32
      %convert_element_type3A_264 = arith.extui %lt3A_263 : i1 to i32
      %cond3A_265 = arith.constant 0 : i32
      %cond3A_266 = arith.cmpi ne, %convert_element_type3A_264, %cond3A_265 : i32
      scf.if %cond3A_266 {
        %dma_wait3A_277 = arith.constant 0 : i32
        %dma_wait3A_278 = arith.constant 0 : i32
        %dma_wait3A_279 = tpu.memref_slice %arg3[%dma_wait3A_277, %dma_wait3A_278] : memref<10000x128xf32, #tpu.memory_space<hbm>> -> memref<10000x128xf32, #tpu.memory_space<hbm>>
        tpu.wait_indirect_dma semaphore(%arg24 : memref<!tpu.dma_semaphore, #tpu.memory_space<semaphore_mem>>) src(%dma_wait3A_279 : memref<10000x128xf32, #tpu.memory_space<hbm>>) dst(%arg14 : memref<128x128xf32, #tpu.memory_space<vmem>>)
      } else {
      }
      %add3A_267 = arith.constant 3 : i32
      %add3A_268 = arith.addi %add3A_249, %add3A_267 : i32
      %lt3A_269 = arith.cmpi slt, %add3A_268, %select_n3A : i32
      %convert_element_type3A_270 = arith.extui %lt3A_269 : i1 to i32
      %cond3A_271 = arith.constant 0 : i32
      %cond3A_272 = arith.cmpi ne, %convert_element_type3A_270, %cond3A_271 : i32
      scf.if %cond3A_272 {
        %add3A_277 = arith.constant 3 : i32
        %add3A_278 = arith.addi %add3A_249, %add3A_277 : i32
        %mul3A_279 = arith.constant 32 : i32
        %mul3A_280 = arith.muli %add3A_278, %mul3A_279 : i32
        %add3A_281 = arith.addi %mul3A_280, %add3A : i32
        %dma_start3A_282 = arith.constant 0 : i32
        %dma_start3A_283 = arith.constant 0 : i32
        %dma_start3A_284 = tpu.memref_slice %arg2[%add3A_281, %dma_start3A_282, %dma_start3A_283] : memref<2500x2x128xi32, #tpu.memory_space<hbm>> -> memref<1x1x128xi32, #tpu.memory_space<hbm>>
        %dma_start3A_285 = tpu.memref_squeeze %dma_start3A_284 : memref<1x1x128xi32, #tpu.memory_space<hbm>> -> memref<128xi32, #tpu.memory_space<hbm>>
        %dma_start3A_286 = arith.constant 0 : i32
        %dma_start3A_287 = tpu.memref_slice %arg2[%add3A_281, %dma_start3A_282, %dma_start3A_286] : memref<2500x2x128xi32, #tpu.memory_space<hbm>> -> memref<1x1x128xi32, #tpu.memory_space<hbm>>
        %dma_start3A_288 = tpu.memref_squeeze %dma_start3A_287 : memref<1x1x128xi32, #tpu.memory_space<hbm>> -> memref<128xi32, #tpu.memory_space<hbm>>
        tpu.enqueue_dma source(%dma_start3A_288 : memref<128xi32, #tpu.memory_space<hbm>>) target(%arg8 : memref<128xi32, #tpu.memory_space<vmem>>) target_semaphore(%arg18 : memref<!tpu.dma_semaphore, #tpu.memory_space<semaphore_mem>>)
      } else {
      }
      %lt3A_273 = arith.cmpi slt, %add3A_249, %select_n3A : i32
      %convert_element_type3A_274 = arith.extui %lt3A_273 : i1 to i32
      %cond3A_275 = arith.constant 0 : i32
      %cond3A_276 = arith.cmpi ne, %convert_element_type3A_274, %cond3A_275 : i32
      scf.if %cond3A_276 {
        %dma_wait3A_277 = arith.constant 0 : i32
        %dma_wait3A_278 = arith.constant 1 : i32
        %dma_wait3A_279 = arith.constant 0 : i32
        %dma_wait3A_280 = tpu.memref_slice %arg2[%dma_wait3A_277, %dma_wait3A_278, %dma_wait3A_279] : memref<2500x2x128xi32, #tpu.memory_space<hbm>> -> memref<1x1x128xi32, #tpu.memory_space<hbm>>
        %dma_wait3A_281 = tpu.memref_squeeze %dma_wait3A_280 : memref<1x1x128xi32, #tpu.memory_space<hbm>> -> memref<128xi32, #tpu.memory_space<hbm>>
        %dma_wait3A_282 = arith.constant 0 : i32
        %dma_wait3A_283 = tpu.memref_slice %arg2[%dma_wait3A_277, %dma_wait3A_278, %dma_wait3A_282] : memref<2500x2x128xi32, #tpu.memory_space<hbm>> -> memref<1x1x128xi32, #tpu.memory_space<hbm>>
        %dma_wait3A_284 = tpu.memref_squeeze %dma_wait3A_283 : memref<1x1x128xi32, #tpu.memory_space<hbm>> -> memref<128xi32, #tpu.memory_space<hbm>>
        tpu.wait_dma2 semaphore(%arg21 : memref<!tpu.dma_semaphore, #tpu.memory_space<semaphore_mem>>) src(%dma_wait3A_284 : memref<128xi32, #tpu.memory_space<hbm>>) dst(%arg11 : memref<128xi32, #tpu.memory_space<vmem>>)
        %dma_start3A_285 = arith.constant 0 : i32
        %dma_start3A_286 = arith.constant 0 : i32
        %dma_start3A_287 = tpu.memref_slice %arg15[%dma_start3A_285, %dma_start3A_286] : memref<10112x128xf32, #tpu.memory_space<vmem_shared>> -> memref<10112x128xf32, #tpu.memory_space<vmem_shared>>
        tpu.enqueue_indirect_dma source(%arg14 : memref<128x128xf32, #tpu.memory_space<vmem>>) target(%dma_start3A_287 : memref<10112x128xf32, #tpu.memory_space<vmem_shared>>) offsets(%arg11 : memref<128xi32, #tpu.memory_space<vmem>>) semaphore(%arg25 : memref<!tpu.dma_semaphore, #tpu.memory_space<semaphore_mem>>) {add = true}
      } else {
      }
    }
    %scan3A_90 = arith.constant 14 : i32
    %barrier3A_91 = arith.constant 0 : index
    tpu.barrier barrier_id(%barrier3A_91)
    %mul3A_92 = arith.constant 10112 : i32
    %mul3A_93 = arith.muli %arg0, %mul3A_92 : i32
    %add3A_94 = arith.addi %mul3A_93, %mul3A_2 : i32
    "tpu.region"() ({
      %run_scoped3A = tpu.sem_alloc : memref<!tpu.dma_semaphore, #tpu.memory_space<semaphore_mem>>
      %dma_start3A_95 = arith.constant 0 : i32
      %dma_start3A_96 = tpu.memref_slice %arg5[%add3A_94, %dma_start3A_95] : memref<20224x128xf32, #tpu.memory_space<hbm>> -> memref<632x128xf32, #tpu.memory_space<hbm>>
      %dma_start3A_97 = arith.constant 0 : i32
      %dma_start3A_98 = tpu.memref_slice %arg15[%mul3A_2, %dma_start3A_97] : memref<10112x128xf32, #tpu.memory_space<vmem_shared>> -> memref<632x128xf32, #tpu.memory_space<vmem_shared>>
      tpu.enqueue_dma source(%dma_start3A_98 : memref<632x128xf32, #tpu.memory_space<vmem_shared>>) target(%dma_start3A_96 : memref<632x128xf32, #tpu.memory_space<hbm>>) target_semaphore(%run_scoped3A : memref<!tpu.dma_semaphore, #tpu.memory_space<semaphore_mem>>)
      %dma_wait3A_99 = arith.constant 0 : i32
      %dma_wait3A_100 = tpu.memref_slice %arg5[%add3A_94, %dma_wait3A_99] : memref<20224x128xf32, #tpu.memory_space<hbm>> -> memref<632x128xf32, #tpu.memory_space<hbm>>
      %dma_wait3A_101 = arith.constant 0 : i32
      %dma_wait3A_102 = tpu.memref_slice %arg15[%mul3A_2, %dma_wait3A_101] : memref<10112x128xf32, #tpu.memory_space<vmem_shared>> -> memref<632x128xf32, #tpu.memory_space<vmem_shared>>
      tpu.wait_dma2 semaphore(%run_scoped3A : memref<!tpu.dma_semaphore, #tpu.memory_space<semaphore_mem>>) src(%dma_wait3A_102 : memref<632x128xf32, #tpu.memory_space<vmem_shared>>) dst(%dma_wait3A_100 : memref<632x128xf32, #tpu.memory_space<hbm>>)
      tpu.yield
    }) : () -> ()
    return
  }
}

module attributes {stable_mosaic.version = 14 : i64} {
  func.func @_mlp_body(%arg0: memref<10000x128xf32, #tpu.memory_space<vmem>>, %arg1: memref<20224x128xf32, #tpu.memory_space<vmem>>, %arg2: memref<128x128xf32, #tpu.memory_space<vmem>>, %arg3: memref<1x128xf32, #tpu.memory_space<vmem>>, %arg4: memref<1x128xf32, #tpu.memory_space<vmem>>, %arg5: memref<1x128xf32, #tpu.memory_space<vmem>>, %arg6: memref<128x128xf32, #tpu.memory_space<vmem>>, %arg7: memref<1x128xf32, #tpu.memory_space<vmem>>, %arg8: memref<10000x128xf32, #tpu.memory_space<vmem>>) attributes {dimension_semantics = [], scalar_prefetch = 0 : i64, scratch_operands = 0 : i64, tpu.core_type = #tpu.core_type<tc>} {
    %get3A = arith.constant 0 : index
    %get3A_0 = arith.constant 0 : index
    %get3A_1 = vector.load %arg0[%get3A, %get3A_0] : memref<10000x128xf32, #tpu.memory_space<vmem>>, vector<10000x128xf32>
    %get3A_2 = arith.constant 0 : index
    %get3A_3 = arith.constant 0 : index
    %get3A_4 = vector.load %arg1[%get3A_2, %get3A_3] : memref<20224x128xf32, #tpu.memory_space<vmem>>, vector<10000x128xf32>
    %add3A = arith.addf %get3A_1, %get3A_4 : vector<10000x128xf32>
    %get3A_5 = arith.constant 10112 : index
    %get3A_6 = arith.constant 0 : index
    %get3A_7 = vector.load %arg1[%get3A_5, %get3A_6] : memref<20224x128xf32, #tpu.memory_space<vmem>>, vector<10000x128xf32>
    %add3A_8 = arith.addf %add3A, %get3A_7 : vector<10000x128xf32>
    %get3A_9 = arith.constant 0 : index
    %get3A_10 = arith.constant 0 : index
    %get3A_11 = vector.load %arg2[%get3A_9, %get3A_10] : memref<128x128xf32, #tpu.memory_space<vmem>>, vector<128x128xf32>
    %dot_general3A = arith.constant dense<0.000000e+00> : vector<10000x128xf32>
    %dot_general3A_12 = tpu.matmul %add3A_8, %get3A_11, %dot_general3A {dimension_numbers = #tpu.dot_dimension_numbers<[1], [1], [0], [0], [0, 0, 1, 0], [], []>, transpose_lhs_hint = false} : vector<10000x128xf32>, vector<128x128xf32>, vector<10000x128xf32> -> vector<10000x128xf32>
    %get3A_13 = arith.constant 0 : index
    %get3A_14 = arith.constant 0 : index
    %get3A_15 = vector.load %arg3[%get3A_13, %get3A_14] : memref<1x128xf32, #tpu.memory_space<vmem>>, vector<1x128xf32>
    %add3A_16 = vector.broadcast %get3A_15 : vector<1x128xf32> to vector<10000x128xf32>
    %add3A_17 = arith.addf %dot_general3A_12, %add3A_16 : vector<10000x128xf32>
    %reduce_sum3A = arith.constant dense<0.000000e+00> : vector<128xf32>
    %reduce_sum3A_18 = vector.multi_reduction <add>, %add3A_17, %reduce_sum3A [0] : vector<10000x128xf32> to vector<128xf32>
    %broadcast_in_dim3A = vector.shape_cast %reduce_sum3A_18 : vector<128xf32> to vector<1x128xf32>
    %div3A = arith.constant 1.000000e+04 : f32
    %div3A_19 = vector.broadcast %div3A : f32 to vector<1x128xf32>
    %div3A_20 = arith.divf %broadcast_in_dim3A, %div3A_19 : vector<1x128xf32>
    %sub3A = vector.broadcast %div3A_20 : vector<1x128xf32> to vector<10000x128xf32>
    %sub3A_21 = arith.subf %add3A_17, %sub3A : vector<10000x128xf32>
    %mul3A = arith.mulf %sub3A_21, %sub3A_21 : vector<10000x128xf32>
    %reduce_sum3A_22 = arith.constant dense<0.000000e+00> : vector<128xf32>
    %reduce_sum3A_23 = vector.multi_reduction <add>, %mul3A, %reduce_sum3A_22 [0] : vector<10000x128xf32> to vector<128xf32>
    %broadcast_in_dim3A_24 = vector.shape_cast %reduce_sum3A_23 : vector<128xf32> to vector<1x128xf32>
    %div3A_25 = arith.constant 1.000000e+04 : f32
    %div3A_26 = vector.broadcast %div3A_25 : f32 to vector<1x128xf32>
    %div3A_27 = arith.divf %broadcast_in_dim3A_24, %div3A_26 : vector<1x128xf32>
    %add3A_28 = arith.constant 9.99999974E-6 : f32
    %add3A_29 = vector.broadcast %add3A_28 : f32 to vector<1x128xf32>
    %add3A_30 = arith.addf %div3A_27, %add3A_29 : vector<1x128xf32>
    %rsqrt3A = math.rsqrt %add3A_30 : vector<1x128xf32>
    %mul3A_31 = vector.broadcast %rsqrt3A : vector<1x128xf32> to vector<10000x128xf32>
    %mul3A_32 = arith.mulf %sub3A_21, %mul3A_31 : vector<10000x128xf32>
    %get3A_33 = arith.constant 0 : index
    %get3A_34 = arith.constant 0 : index
    %get3A_35 = vector.load %arg4[%get3A_33, %get3A_34] : memref<1x128xf32, #tpu.memory_space<vmem>>, vector<1x128xf32>
    %mul3A_36 = vector.broadcast %get3A_35 : vector<1x128xf32> to vector<10000x128xf32>
    %mul3A_37 = arith.mulf %mul3A_32, %mul3A_36 : vector<10000x128xf32>
    %get3A_38 = arith.constant 0 : index
    %get3A_39 = arith.constant 0 : index
    %get3A_40 = vector.load %arg5[%get3A_38, %get3A_39] : memref<1x128xf32, #tpu.memory_space<vmem>>, vector<1x128xf32>
    %add3A_41 = vector.broadcast %get3A_40 : vector<1x128xf32> to vector<10000x128xf32>
    %add3A_42 = arith.addf %mul3A_37, %add3A_41 : vector<10000x128xf32>
    %max3A = arith.constant 0.000000e+00 : f32
    %max3A_43 = vector.broadcast %max3A : f32 to vector<10000x128xf32>
    %max3A_44 = arith.maximumf %add3A_42, %max3A_43 : vector<10000x128xf32>
    %get3A_45 = arith.constant 0 : index
    %get3A_46 = arith.constant 0 : index
    %get3A_47 = vector.load %arg6[%get3A_45, %get3A_46] : memref<128x128xf32, #tpu.memory_space<vmem>>, vector<128x128xf32>
    %dot_general3A_48 = arith.constant dense<0.000000e+00> : vector<10000x128xf32>
    %dot_general3A_49 = tpu.matmul %max3A_44, %get3A_47, %dot_general3A_48 {dimension_numbers = #tpu.dot_dimension_numbers<[1], [1], [0], [0], [0, 0, 1, 0], [], []>, transpose_lhs_hint = false} : vector<10000x128xf32>, vector<128x128xf32>, vector<10000x128xf32> -> vector<10000x128xf32>
    %get3A_50 = arith.constant 0 : index
    %get3A_51 = arith.constant 0 : index
    %get3A_52 = vector.load %arg7[%get3A_50, %get3A_51] : memref<1x128xf32, #tpu.memory_space<vmem>>, vector<1x128xf32>
    %add3A_53 = vector.broadcast %get3A_52 : vector<1x128xf32> to vector<10000x128xf32>
    %add3A_54 = arith.addf %dot_general3A_49, %add3A_53 : vector<10000x128xf32>
    %swap3A = arith.constant 0 : index
    %swap3A_55 = arith.constant 0 : index
    %swap3A_56 = vector.load %arg8[%swap3A, %swap3A_55] : memref<10000x128xf32, #tpu.memory_space<vmem>>, vector<10000x128xf32>
    tpu.vector_store %arg8[%swap3A, %swap3A_55], %add3A_54 {strides = array<i32>} : memref<10000x128xf32, #tpu.memory_space<vmem>>, vector<10000x128xf32>,
    return
  }
}

</mosaic_0001>

<sc_bundles>
// kernel: kernel.4.cloned.1.call-start
scs
__scs_entry_jumppad:
0x0: {  	(pc) =	sbr.rel $0x88, $3  }
0x1: {  	(tag) =	ssettag $0x0;
	lr =	simm.s32 $0x1  }
0x2: {  	[smem:$0x3F99] =	sst lr;
	_ =	strace $0xD0000000  }
0x3: {  	_ = 	snop  }
0x4: {  	_ = 	snop  }
0x5: {  	_ = 	snop  }
0x6: {  	_ = 	snop  }
0x7: {  	_ = 	snop  }
__scs_overlays_trampoline_lowered:
0x8: {  	[smem:$0x3FA8] =	sst s0  }
0x9: {  	[smem:$0x3FA9] =	sst s1  }
0xa: {  	[smem:$0x3FAA] =	sst s2  }
0xb: {  	[smem:$0x3FAB] =	sst s3  }
0xc: {  	[smem:$0x3FAC] =	sst s4  }
0xd: {  	[smem:$0x3FAD] =	sst s5  }
0xe: {  	[smem:$0x3FAE] =	sst s6  }
0xf: {  	[smem:$0x3FAF] =	sst s7  }
0x10: {  	[smem:$0x3FB0] =	sst s8  }
0x11: {  	[smem:$0x3FB1] =	sst s9;
	s0 =	simm.s32 @!p0 $0x0  }
0x12: {  	s1 =	sld [smem:$0x3F97];
	s0 =	simm.s32 @p0 $0x1  }
0x13: {  	[smem:$0x3FB2] =	sst s0;
	s0 =	simm.s32 @!p1 $0x0  }
0x14: {  	s2 =	sld [smem:$0x3F96];
	s0 =	simm.s32 @p1 $0x1  }
0x15: {  	[smem:$0x3FB3] =	sst s0;
	s0 =	simm.s32 @!p2 $0x0  }
0x16: {  	s3 =	sld [smem:$0x3FDB];
	s0 =	simm.s32 @p2 $0x1  }
0x17: {  	s4 =	simm.s32 $0x1BF5;
	[smem:$0x3FB5] =	sst s0  }
0x18: {  	s0 =	sld [smem:$0x3F98];
	_ =	swait.ge [sflag:s4], $0x0  }
0x19: {  	s7 =	sld [smem:$0x3F99]  }
0x1a: {  	s8 =	sadd.s32 $0xFFFFE003, lr  }
0x1b: {  	s9 =	sadd.s32 $0xFFFFFEF7, lr;
	s5 =	simm.s32 $0xFFFFFFFF;
	p2 =	slt.u32 s8, $0xFFFFF086  }
0x1c: {  	p1 =	slt.u32 s9, $0xF7A;
	s5 =	simm.s32 @!p2 $0x0  }
0x1d: {  	s5 =	simm.s32 @p1 $0x1;
	p0 =	seq.s32 s7, s2  }
0x1e: {  	s7 =	smul.u32 @!p0 $0xF7A, s2;
	p2 =	seq.s32 @!p0 s5, $0x0  }
0x1f: {  	s9 =	smul.u32 $0xF7A, s1;
	s8 =	simm.s32 @!p0 $0x1BF5;
	p2 =	por !p2, p0  }
0x20: {  	[sflag:s8] =	ssyncset.s32 @!p0 $0xFFFFF086;
	s6 =	sadd.s32 @!p0 s3, s7;
	s7 =	simm.s32 @!p0 $0x108  }
0x21: {  	s3 =	sadd.s32 s3, s9;
	s6 =	sadd.s32 @!p0 $0x88, s6;
	s7 =	simm.s32 @p2 $0x1082  }
0x22: {  	[simem:s7], [sflag:s8] =	dma.local @!p0 [hbm:s6], $0xF7A  }
0x23: {  	s9 =	sor.u32 $0xD0000000, s2;
	s6 =	simm.s32 $0x108;
	_ =	swait.ge @!p0 [sflag:s8], $0x0  }
0x24: {  	s3 =	sadd.s32 $0x88, s3;
	s6 =	simm.s32 @!p1 $0x1082;
	[sflag:s4] =	ssyncset.s32 $0xFFFFF086  }
0x25: {  	[simem:s6], [sflag:s4] =	dma.local [hbm:s3], $0xF7A  }
0x26: {  	[smem:$0x3F99] =	sst s1;
	(tag) =	ssettag s2;
	_ =	strace s9  }
0x27: {  	s1 =	sld [smem:$0x3FA9]  }
0x28: {  	s2 =	sld [smem:$0x3FAA]  }
0x29: {  	s4 =	sld [smem:$0x3FAC]  }
0x2a: {  	p0 =	seq.s32 s5, $0x0;
	s5 =	sld [smem:$0x3FAD]  }
0x2b: {  	s6 =	sld [smem:$0x3FAE]  }
0x2c: {  	s7 =	sld [smem:$0x3FAF]  }
0x2d: {  	s3 =	simm.s32 $0x108;
	s8 =	sld [smem:$0x3FB0]  }
0x2e: {  	s3 =	simm.s32 @!p0 $0x1082;
	s9 =	sld [smem:$0x3FB1]  }
0x2f: {  	lr =	sadd.s32 s0, s3;
	s0 =	sld [smem:$0x3FA8]  }
0x30: {  	s3 =	sld [smem:$0x3FAB]  }
0x31: {  	[smem:$0x3FB4] =	sst s10  }
0x32: {  	s10 =	sld [smem:$0x3FB2];
	_ =	sdelay $0x3  }
0x33: {  	p0 =	seq.s32 s10, $0x1;
	s10 =	sld [smem:$0x3FB4];
	_ =	sdelay $0x3  }
0x34: {  	[smem:$0x3FB4] =	sst s10  }
0x35: {  	s10 =	sld [smem:$0x3FB3];
	_ =	sdelay $0x3  }
0x36: {  	p1 =	seq.s32 s10, $0x1;
	s10 =	sld [smem:$0x3FB4];
	_ =	sdelay $0x3  }
0x37: {  	[smem:$0x3FB4] =	sst s10  }
0x38: {  	s10 =	sld [smem:$0x3FB5]  }
0x39: {  	_ = 	snop;
	(pc) =	sbr.ind lr, $3  }
0x3a: {  	_ = 	snop  }
0x3b: {  	_ = 	snop  }
0x3c: {  	p2 =	seq.s32 s10, $0x1;
	s10 =	sld [smem:$0x3FB4]  }
0x3d: {  	_ =	shalt  }
0x3e: {  	_ =	shalt  }
0x3f: {  	_ =	shalt  }
0x40: {  	_ =	shalt  }
0x41: {  	_ =	shalt  }
0x42: {  	_ =	shalt  }
0x43: {  	_ =	shalt  }
0x44: {  	_ =	shalt  }
0x45: {  	_ =	shalt  }
0x46: {  	_ =	shalt  }
0x47: {  	_ =	shalt  }
0x48: {  	_ =	shalt  }
0x49: {  	_ =	shalt  }
0x4a: {  	_ =	shalt  }
0x4b: {  	_ =	shalt  }
0x4c: {  	_ =	shalt  }
0x4d: {  	_ =	shalt  }
0x4e: {  	_ =	shalt  }
0x4f: {  	_ =	shalt  }
0x50: {  	_ =	shalt  }
0x51: {  	_ =	shalt  }
0x52: {  	_ =	shalt  }
0x53: {  	_ =	shalt  }
0x54: {  	_ =	shalt  }
0x55: {  	_ =	shalt  }
0x56: {  	_ =	shalt  }
0x57: {  	_ =	shalt  }
0x58: {  	_ =	shalt  }
0x59: {  	_ =	shalt  }
0x5a: {  	_ =	shalt  }
0x5b: {  	_ =	shalt  }
0x5c: {  	_ =	shalt  }
0x5d: {  	_ =	shalt  }
0x5e: {  	_ =	shalt  }
0x5f: {  	_ =	shalt  }
0x60: {  	_ =	shalt  }
0x61: {  	_ =	shalt  }
0x62: {  	_ =	shalt  }
0x63: {  	_ =	shalt  }
0x64: {  	_ =	shalt  }
0x65: {  	_ =	shalt  }
0x66: {  	_ =	shalt  }
0x67: {  	_ =	shalt  }
0x68: {  	_ =	shalt  }
0x69: {  	_ =	shalt  }
0x6a: {  	_ =	shalt  }
0x6b: {  	_ =	shalt  }
0x6c: {  	_ =	shalt  }
0x6d: {  	_ =	shalt  }
0x6e: {  	_ =	shalt  }
0x6f: {  	_ =	shalt  }
0x70: {  	_ =	shalt  }
0x71: {  	_ =	shalt  }
0x72: {  	_ =	shalt  }
0x73: {  	_ =	shalt  }
0x74: {  	_ =	shalt  }
0x75: {  	_ =	shalt  }
0x76: {  	_ =	shalt  }
0x77: {  	_ =	shalt  }
0x78: {  	_ =	shalt  }
0x79: {  	_ =	shalt  }
0x7a: {  	_ =	shalt  }
0x7b: {  	_ =	shalt  }
0x7c: {  	_ =	shalt  }
0x7d: {  	_ =	shalt  }
0x7e: {  	_ =	shalt  }
0x7f: {  	_ =	shalt  }
0x80: {  	_ =	shalt  }
0x81: {  	_ =	shalt  }
0x82: {  	_ =	shalt  }
0x83: {  	_ =	shalt  }
0x84: {  	_ =	shalt  }
0x85: {  	_ =	shalt  }
0x86: {  	_ =	shalt  }
0x87: {  	_ =	shalt  }
.Lfunc_end0:
.L_simem_size_0:
called_computation_lowered:
.L_overlay_start_0:
0x88: {  	s2 =	sld [smem:$0x3FD9]  }
0x89: {  	s3 =	sld [smem:$0x3FFE];
	_ =	sdelay $0x1  }
0x8a: {  	s1 =	srdreg.scid  }
0x8b: {  	s0 =	sand.u32 $0x1, s1  }
0x8c: {  	s17 =	sshll.u32 s0, $0xA;
	s2 =	sadd.s32 s3, s2  }
0x8d: {  	s2 =	sadd.s32 s2, s17  }
0x8e: {  	[smem:$0x3FC0] =	sst s2  }
0x8f: {  	_ = 	snop  }
0x90: {  	s2 =	sld [smem:$0x3FC9]  }
0x91: {  	s18 =	sld [smem:$0x3FC8]  }
0x92: {  	s4 =	sld [smem:$0x3FD0];
	(tm) =	ssettm $0x1  }
0x93: {  	s5 =	sld [smem:$0x3FFB];
	_ =	sdelay $0x3  }
0x94: {  	_ =	strace s5  }
0x95: {  	s5 =	sld [smem:$0x3FFC];
	_ =	sdelay $0x3  }
0x96: {  	_ =	strace s5  }
0x97: {  	s5 =	sld [smem:$0x3FFD];
	_ =	sdelay $0x3  }
0x98: {  	_ =	strace s5  }
0x99: {  	_ =	strace $0x8FFFFFFF  }
0x9a: {  	s19 =	sld [smem:$0x3FDB];
	_ =	sdelay $0x1  }
0x9b: {  	s6 =	simm.s32 $_scs_section_size  }
0x9c: {  	s7 =	simm.s32 $_size__tile_overlayer_lowered;
	s8 =	simm.s32 $_tile_overlayer_lowered  }
0x9d: {  	s22 =	simm.s32 $0x1BFF;
	s21 =	sshll.u32 s8, $0x1;
	s5 =	sadd.s32 s6, s19  }
0x9e: {  	s9 =	simm.s32 $0x0;
	s20 =	sshll.u32 s7, $0x1;
	s7 =	sadd.s32 s21, s5  }
0x9f: {  	[timem:s9], [sflag:s22] =	dma.local [hbm:s7], s20  }
0xa0: {  	_ =	swait.ge [sflag:s22], s20  }
0xa1: {  	s6 =	ssub.s32 $0x0, s20;
	[sflag:s22] =	ssyncset.done $0x0  }
0xa2: {  	[sflag:s22] =	ssyncadd.s32 s6;
	_ =	sdelay $0x1  }
0xa3: {  	s23 =	simm.s32 $0x1B8B  }
0xa4: {  	_ =	swait.ge [sflag:s23], $0x1  }
0xa5: {  	[sflag:s23] =	ssyncset.done $0x0  }
0xa6: {  	s25 =	simm.s32 $0x1B8E;
	s24 =	sld [smem:$0x3FFE];
	[sflag:s23] =	ssyncadd.s32 $0xFFFFFFFF  }
0xa7: {  	s26 =	simm.s32 $execute0_lowered;
	[smem:$0x3FD2] =	sst s25  }
0xa8: {  	s7 =	sshll.u32 s26, $0x1;
	_ =	strace $0x80000046;
	[dreg:$0x1] =	wrdreg $0xFFFFFFFF  }
0xa9: {  	s28 =	simm.s32 $_size_execute0_lowered;
	s5 =	sadd.s32 s5, s7;
	[dreg:$0x0] =	wrdreg $0x0  }
0xaa: {  	s7 =	sshll.u32 s28, $0x1;
	[dreg:$0x2] =	wrdreg s5  }
0xab: {  	[dreg:$0x3] =	wrdreg s7  }
0xac: {  	[dreg:$0x4] =	wrdreg $0xC0  }
0xad: {  	_ =	task [dreg:s9], $0x5FFFF  }
0xae: {  	[dreg:$0x1] =	wrdreg $0xFFFFFFFF  }
0xaf: {  	[dreg:$0x0] =	wrdreg $0x60  }
0xb0: {  	[dreg:$0x2] =	wrdreg s18  }
0xb1: {  	[dreg:$0x3] =	wrdreg s2  }
0xb2: {  	[dreg:$0x4] =	wrdreg s4  }
0xb3: {  	[dreg:$0x5] =	wrdreg s24  }
0xb4: {  	[dreg:$0x6] =	wrdreg $0xC3000  }
0xb5: {  	[dreg:$0x7] =	wrdreg $0x9  }
0xb6: {  	_ =	task.clear_ibuf [dreg:s9], $0x8FFFF;
	_ =	strace $0x90000046  }
0xb7: {  	s29 =	simm.s32 $0x9;
	_ =	strace $0x80000048  }
0xb8: {  	_ =	swait.ge [sflag:s29], $0x1  }
0xb9: {  	[sflag:s29] =	ssyncadd.s32 $0xFFFFFFFF  }
0xba: {  	_ =	strace $0x90000048  }
0xbb: {  	_ =	sfence  }
0xbc: {  	s30 =	sld [smem:$0x0];
	_ =	sdelay $0x2  }
0xbd: {  	s31 =	sshll.u32 s1, $0xD;
	s1 =	sshrl.u32 s1, $0x2  }
0xbe: {  	s3 =	sand.u32 $0x4000, s31;
	s1 =	sadd.s32 s1, s30  }
0xbf: {  	s0 =	sor.u32 s3, s0;
	s1 =	sshll.u32 s1, $0x11  }
0xc0: {  	s0 =	sor.u32 s1, s0  }
0xc1: {  	s0 =	sadd.s32 $0x8F2B, s0  }
0xc2: {  	[sflag:s0] =	ssyncadd.remote.s32 $0x1  }
0xc3: {  	_ =	sfence.sel $0xFFFF  }
0xc4: {  	[dreg:$0x0] =	wrdreg $0xFFFFFFFF;
	(pc) =	sbr.abs _section_cstart, $3  }
0xc5: {  	[dreg:$0x1] =	wrdreg $0xFFFFFFFF  }
0xc6: {  	_ =	task.clear_ibuf [dreg:s9], $0x2FFFF;
	_ =	strace $0x9FFFFFFF  }
0xc7: {  	(tm) =	ssettm $0x7FFFFFFF  }
tec
execute0_lowered:
.L_overlay_start_1:
0x0: {  	(tag) =	ssettag $0x1  }
0x1: {  	s0 =	rddreg [dreg:$0x0]  }
0x2: {  	s1 =	rddreg [dreg:$0x3]  }
0x3: {  	s28 =	rddreg [dreg:$0x4]  }
0x4: {  	s2 =	srdreg.scid;
	s8 =	stileid.u32  }
0x5: {  	s4 =	simm.s32 $0x0;
	s2 =	sand.u32 $0x1, s2;
	s3 =	smul.u32 $0x2780, s8  }
0x6: {  	[smem:$0x7FF] =	sst s4;
	s6 =	sshll.u32 s8, $0x1;
	s22 =	smul.u32 $0x4F000, s8  }
0x7: {  	s30 =	sshll.u32 s8, $0x6;
	s16 =	smul.u32 $0x27800, s2;
	s6 =	sor.u32 s2, s6  }
0x8: {  	_ =	strace $0x80000047;
	s5 =	ssub.s32 $0x2, s2;
	s19 =	sshll.u32 s6, $0x5  }
0x9: {  	s2 =	sshll.u32 s2, $0x5;
	s17 =	sshrl.u32 s5, $0x1;
	s21 =	sadd.s32 s0, s19  }
0xa: {  	s18 =	ssub.s32 s5, s17;
	s5 =	sor.u32 $0x1C0B, s30;
	[dreg:$0x10] =	wrdreg s21  }
0xb: {  	s20 =	ssub.s32 $0x9E3, s6;
	s23 =	sadd.s32 $0x400, s21;
	[dreg:$0x17] =	wrdreg s5  }
0xc: {  	s4 =	sshrl.u32 s22, $0x2;
	s24 =	sadd.s32 $0x800, s21;
	[dreg:$0x11] =	wrdreg s23  }
0xd: {  	s6 =	simm.s32 $0xB;
	s25 =	sadd.s32 $0x10, s21;
	[dreg:$0x12] =	wrdreg s24  }
0xe: {  	s7 =	sshrl.u32 s20, $0x5;
	s26 =	sadd.s32 $0x410, s21;
	[dreg:$0x13] =	wrdreg s25  }
0xf: {  	s3 =	sadd.s32 s3, s16;
	s29 =	sadd.s32 $0xFFFFFFFF, s7;
	[dreg:$0x14] =	wrdreg s26  }
0x10: {  	s4 =	sadd.s32 s4, s28;
	s31 =	smax.u32 s18, $0x1;
	[dreg:$0x6] =	wrdreg s29  }
0x11: {  	s1 =	sadd.s32 s3, s1;
	s4 =	sshrl.u32 s4, $0x3;
	[dreg:$0x16] =	wrdreg s31  }
0x12: {  	s0 =	sadd.s32 s30, s0;
	s1 =	sadd.s32 $0x1400, s1;
	[dreg:$0x18] =	wrdreg s4  }
0x13: {  	s14 =	sadd.s32 s2, s0;
	[dreg:$0x15] =	wrdreg s1;
	s1 =	simm.s32 $0x0  }
.LBB2_1:
0x14: {  	[dreg:$0x19] =	wrdreg s1  }
0x15: {  	s10 =	simm.s32 $0x0;
	s0 =	rddreg [dreg:$0x10]  }
0x16: {  	[tilespmem:s10], [sflag:$0x1] =	stream.linear.gather [hbm4b:s0+s10], $0x80, $0x38;
	[tilespmem:$0x1FF00] =	vst v63  }
0x17: {  	s11 =	rddreg [dreg:$0x11];
	s2 =	simm.s32 $0x80  }
0x18: {  	[tilespmem:s2], [sflag:$0x2] =	stream.linear.gather [hbm4b:s11+s10], $0x80, $0x38;
	[tilespmem:$0x1FF00] =	vst v63  }
0x19: {  	s12 =	rddreg [dreg:$0x12];
	s3 =	simm.s32 $0x100  }
0x1a: {  	[tilespmem:s3], [sflag:$0x3] =	stream.linear.gather [hbm4b:s12+s10], $0x80, $0x38;
	[tilespmem:$0x1FF00] =	vst v63  }
0x1b: {  	s13 =	rddreg [dreg:$0x13];
	s15 =	simm.s32 $0x180  }
0x1c: {  	[tilespmem:s15], [sflag:$0x4] =	stream.linear.gather [hbm4b:s13+s10], $0x80, $0x38;
	[tilespmem:$0x1FF00] =	vst v63  }
0x1d: {  	s16 =	rddreg [dreg:$0x14];
	s17 =	simm.s32 $0x200;
	s18 =	simm.s32 $0x1  }
0x1e: {  	[tilespmem:s17], [sflag:$0x5] =	stream.linear.gather [hbm4b:s16+s10], $0x80, $0x38;
	[tilespmem:$0x1FF00] =	vst v63  }
0x1f: {  	_ =	swait.ge [sflag:s18], $0x80  }
0x20: {  	[sflag:s18] =	ssyncset.done $0x0  }
0x21: {  	[sflag:s18] =	ssyncadd.s32 $0xFFFFFF80  }
0x22: {  	s19 =	simm.s32 $0x300;
	s20 =	simm.s32 $0x2;
	s0 =	rddreg [dreg:$0x1]  }
0x23: {  	[tilespmem:s19], [sflag:$0x7] =	stream.indirect.gather [hbm4b:s0+s2], $0x80, s10, s2, $0xb8;
	[tilespmem:$0x1FF00] =	vst v63  }
0x24: {  	s21 =	simm.s32 $0x4300;
	_ =	swait.ge [sflag:s20], $0x80  }
0x25: {  	s9 =	simm.s32 $0x3;
	s8 =	simm.s32 $0x4;
	[sflag:s20] =	ssyncset.done $0x0  }
0x26: {  	s31 =	simm.s32 $0x7;
	s30 =	simm.s32 $0x8;
	[sflag:s20] =	ssyncadd.s32 $0xFFFFFF80  }
0x27: {  	[tilespmem:s21], [sflag:$0x8] =	stream.indirect.gather [hbm4b:s0+s2], $0x80, s2, s2, $0xb8;
	[tilespmem:$0x1FF00] =	vst v63  }
0x28: {  	s23 =	simm.s32 $0x6;
	s24 =	simm.s32 $0x9;
	s22 =	rddreg [dreg:$0x2]  }
0x29: {  	[spmem:s4], [sflag:s5] =	dma.local [hbm:s22], $0x2780  }
0x2a: {  	s25 =	simm.s32 $0xA;
	s29 =	simm.s32 $0xD;
	_ =	swait.ge [sflag:s6], $0x2780  }
0x2b: {  	p3 =	por $0x1, $0x1;
	p1 =	sle.u32 s7, $0x2;
	[sflag:s6] =	ssyncset.done $0x0  }
0x2c: {  	s26 =	simm.s32 $0x6;
	s11 =	simm.s32 $0x0;
	[sflag:s6] =	ssyncadd.s32 $0xFFFFD880  }
0x2d: {  	s12 =	simm.s32 $0x3000;
	s3 =	simm.s32 $0xC;
	[bflag:$0x0] =	sbarrier.arrive $0xFFFF  }
0x2e: {  	s17 =	simm.s32 $0x1800;
	s18 =	simm.s32 $0x5;
	[dreg:$0x9] =	wrdreg s23  }
0x2f: {  	s20 =	simm.s32 $0x0;
	s21 =	simm.s32 $0x2;
	[dreg:$0x8] =	wrdreg s24  }
0x30: {  	s22 =	simm.s32 $0xB;
	s4 =	simm.s32 @!p3 $0xA;
	[dreg:$0x7] =	wrdreg s25  }
0x31: {  	s24 =	simm.s32 $0xE;
	_ =	swait.ge @!p3 [sflag:s4], $0x4000;
	[dreg:$0xa] =	wrdreg s26  }
.LBB2_2:
0x32: {  	[dreg:$0xe] =	wrdreg s30  }
0x33: {  	[dreg:$0xc] =	wrdreg s24;
	[sflag:s4] =	ssyncset.done @!p3 $0x0;
	s0 =	smov.u32 s12  }
0x34: {  	s1 =	simm.s32 @!p1 $0x3;
	[dreg:$0xb] =	wrdreg s0;
	[sflag:s4] =	ssyncadd.s32 @!p3 $0xFFFFC000  }
0x35: {  	p2 =	sge.u32 s11, s7;
	s25 =	simm.s32 @!p1 $0x80;
	_ =	swait.ge @!p1 [sflag:s1], $0x80  }
0x36: {  	s6 =	simm.s32 @!p1 $0x100;
	s10 =	smov.u32 s17;
	[sflag:s1] =	ssyncset.done @!p1 $0x0  }
0x37: {  	s2 =	sadd.s32 $0x5, s3;
	s0 =	simm.s32 @!p1 $0x8300;
	[sflag:s1] =	ssyncadd.s32 @!p1 $0xFFFFFF80  }
0x38: {  	s4 =	sadd.s32 @!p1 s20, s14;
	s15 =	simm.s32 @!p2 $0x7;
	s17 =	rddreg [dreg:$0x1]  }
0x39: {  	[tilespmem:s0], [sflag:$0x9] =	stream.indirect.gather @!p1 [hbm4b:s17+s25], $0x80, s6, s25, $0xb8;
	[tilespmem:$0x1FF00] =	vst v63  }
0x3a: {  	s4 =	sadd.s32 @!p1 $0x810, s4;
	s1 =	simm.s32 @!p1 $0x280;
	s6 =	simm.s32 @!p1 $0x0  }
0x3b: {  	[tilespmem:s1], [sflag:$0x6] =	stream.linear.gather @!p1 [hbm4b:s4+s6], $0x80, $0x38;
	[tilespmem:$0x1FF00] =	vst v63  }
0x3c: {  	p3 =	sge.u32 s9, s7;
	s19 =	simm.s32 @!p2 $0x4;
	_ =	swait.ge @!p2 [sflag:s15], $0x4000  }
0x3d: {  	s24 =	simm.s32 @!p3 $0x0;
	s4 =	sadd.s32 @!p3 s20, s14;
	[sflag:s15] =	ssyncset.done @!p2 $0x0  }
0x3e: {  	s6 =	sadd.s32 @!p3 $0xC00, s4;
	[dreg:$0xf] =	wrdreg s2;
	[sflag:s15] =	ssyncadd.s32 @!p2 $0xFFFFC000  }
0x3f: {  	[tilespmem:s24], [sflag:$0x1] =	stream.linear.gather @!p3 [hbm4b:s6+s24], $0x80, $0x38;
	[tilespmem:$0x1FF00] =	vst v63  }
0x40: {  	_ =	swait.ge @!p2 [sflag:s19], $0x80  }
0x41: {  	s30 =	sadd.s32 @!p3 $0xC10, s4;
	s4 =	simm.s32 @!p2 $0x300;
	[sflag:s19] =	ssyncset.done @!p2 $0x0  }
0x42: {  	s6 =	simm.s32 @!p2 $0x80;
	[sflag:s19] =	ssyncadd.s32 @!p2 $0xFFFFFF80;
	s19 =	simm.s32 @!p2 $0x180  }
0x43: {  	[spmem:s28] =	stream.indirect.scatter.add.f32 @!p2 [tilespmem:s4], [sflag:$0xA], $0x80, s19, s6, $0xb8;
	[tilespmem:$0x1FF00] =	vst v63  }
0x44: {  	s4 =	sadd.s32 $0x8, s3  }
0x45: {  	s15 =	smov.u32 s29;
	s29 =	simm.s32 @!p2 $0xA;
	[dreg:$0xd] =	wrdreg s4  }
0x46: {  	_ =	swait.ge @!p2 [sflag:s29], $0x4000  }
0x47: {  	[sflag:s29] =	ssyncset.done @!p2 $0x0  }
0x48: {  	p4 =	sge.u32 s8, s7;
	s4 =	simm.s32 @!p3 $0x1;
	[sflag:s29] =	ssyncadd.s32 @!p2 $0xFFFFC000  }
0x49: {  	s2 =	smov.u32 s3;
	s6 =	simm.s32 @!p3 $0x80;
	_ =	swait.ge @!p3 [sflag:s4], $0x80  }
0x4a: {  	s29 =	simm.s32 @!p3 $0x300;
	[sflag:s4] =	ssyncset.done @!p3 $0x0;
	s5 =	rddreg [dreg:$0x6]  }
0x4b: {  	s13 =	rddreg [dreg:$0x9];
	[sflag:s4] =	ssyncadd.s32 @!p3 $0xFFFFFF80;
	p2 =	sge.u32 s11, s5  }
0x4c: {  	[tilespmem:s29], [sflag:$0x7] =	stream.indirect.gather @!p3 [hbm4b:s17+s6], $0x80, s24, s6, $0xb8;
	[tilespmem:$0x1FF00] =	vst v63  }
0x4d: {  	[dreg:$0x9] =	wrdreg s2;
	s4 =	simm.s32 @!p3 $0x180;
	s0 =	simm.s32 @!p2 $0x8  }
0x4e: {  	[tilespmem:s4], [sflag:$0x4] =	stream.linear.gather @!p3 [hbm4b:s30+s24], $0x80, $0x38;
	[tilespmem:$0x1FF00] =	vst v63  }
0x4f: {  	s11 =	smov.u32 s13;
	s13 =	simm.s32 @!p4 $0x0;
	_ =	swait.ge @!p2 [sflag:s0], $0x4000  }
0x50: {  	s30 =	sadd.s32 @!p4 s20, s14;
	s24 =	simm.s32 @!p4 $0x80;
	[sflag:s0] =	ssyncset.done @!p2 $0x0  }
0x51: {  	s2 =	sadd.s32 @!p4 $0x1000, s30;
	[sflag:s0] =	ssyncadd.s32 @!p2 $0xFFFFC000;
	s0 =	simm.s32 @!p2 $0x5  }
0x52: {  	[tilespmem:s24], [sflag:$0x2] =	stream.linear.gather @!p4 [hbm4b:s2+s13], $0x80, $0x38;
	[tilespmem:$0x1FF00] =	vst v63  }
0x53: {  	p5 =	sgt.u32 s21, s7;
	s21 =	simm.s32 @!p2 $0x80;
	_ =	swait.ge @!p2 [sflag:s0], $0x80  }
0x54: {  	s16 =	sadd.s32 @!p4 $0x1010, s30;
	s30 =	simm.s32 @!p2 $0x200;
	[sflag:s0] =	ssyncset.done @!p2 $0x0  }
0x55: {  	s2 =	simm.s32 @!p2 $0x4300;
	[sflag:s0] =	ssyncadd.s32 @!p2 $0xFFFFFF80;
	s0 =	simm.s32 @!p5 $0xA  }
0x56: {  	[spmem:s28] =	stream.indirect.scatter.add.f32 @!p2 [tilespmem:s2], [sflag:$0xA], $0x80, s30, s21, $0xb8;
	[tilespmem:$0x1FF00] =	vst v63  }
0x57: {  	_ =	swait.ge @!p5 [sflag:s0], $0x4000  }
0x58: {  	[sflag:s0] =	ssyncset.done @!p5 $0x0  }
0x59: {  	s2 =	simm.s32 @!p4 $0x2;
	[sflag:s0] =	ssyncadd.s32 @!p5 $0xFFFFC000  }
0x5a: {  	_ =	swait.ge @!p4 [sflag:s2], $0x80  }
0x5b: {  	[sflag:s2] =	ssyncset.done @!p4 $0x0  }
0x5c: {  	s21 =	simm.s32 @!p4 $0x4300;
	[sflag:s2] =	ssyncadd.s32 @!p4 $0xFFFFFF80  }
0x5d: {  	[tilespmem:s21], [sflag:$0x8] =	stream.indirect.gather @!p4 [hbm4b:s17+s24], $0x80, s24, s24, $0xb8;
	[tilespmem:$0x1FF00] =	vst v63  }
0x5e: {  	s30 =	simm.s32 @!p4 $0x200;
	p2 =	sge.u32 s18, s7;
	s0 =	simm.s32 @!p1 $0x9  }
0x5f: {  	[tilespmem:s30], [sflag:$0x5] =	stream.linear.gather @!p4 [hbm4b:s16+s13], $0x80, $0x38;
	[tilespmem:$0x1FF00] =	vst v63  }
0x60: {  	s5 =	smov.u32 s22;
	s22 =	simm.s32 @!p2 $0x0;
	_ =	swait.ge @!p1 [sflag:s0], $0x4000  }
0x61: {  	s2 =	sadd.s32 @!p2 s20, s14;
	s13 =	simm.s32 @!p2 $0x100;
	[sflag:s0] =	ssyncset.done @!p1 $0x0  }
0x62: {  	s16 =	sadd.s32 @!p2 $0x1400, s2;
	[sflag:s0] =	ssyncadd.s32 @!p1 $0xFFFFC000;
	s0 =	simm.s32 @!p1 $0x6  }
0x63: {  	[tilespmem:s13], [sflag:$0x3] =	stream.linear.gather @!p2 [hbm4b:s16+s22], $0x80, $0x38;
	[tilespmem:$0x1FF00] =	vst v63  }
0x64: {  	s26 =	sadd.s32 $0x3, s3;
	_ =	swait.ge @!p1 [sflag:s0], $0x80  }
0x65: {  	p5 =	sgt.u32 s9, s7;
	[sflag:s0] =	ssyncset.done @!p1 $0x0;
	s16 =	rddreg [dreg:$0x8]  }
0x66: {  	s9 =	smov.u32 s16;
	[sflag:s0] =	ssyncadd.s32 @!p1 $0xFFFFFF80;
	s16 =	smov.u32 s26  }
0x67: {  	s0 =	simm.s32 @!p5 $0xA;
	[dreg:$0x8] =	wrdreg s16;
	s16 =	simm.s32 @!p1 $0x8300  }
0x68: {  	[spmem:s28] =	stream.indirect.scatter.add.f32 @!p1 [tilespmem:s16], [sflag:$0xA], $0x80, s1, s25, $0xb8;
	[tilespmem:$0x1FF00] =	vst v63  }
0x69: {  	_ =	swait.ge @!p5 [sflag:s0], $0x4000  }
0x6a: {  	[sflag:s0] =	ssyncset.done @!p5 $0x0  }
0x6b: {  	s1 =	simm.s32 @!p2 $0x3;
	[sflag:s0] =	ssyncadd.s32 @!p5 $0xFFFFC000  }
0x6c: {  	s2 =	sadd.s32 @!p2 $0x1410, s2;
	s26 =	simm.s32 @!p2 $0x80;
	_ =	swait.ge @!p2 [sflag:s1], $0x80  }
0x6d: {  	s25 =	simm.s32 @!p2 $0x8300;
	[sflag:s1] =	ssyncset.done @!p2 $0x0;
	s16 =	rddreg [dreg:$0xa]  }
0x6e: {  	[sflag:s1] =	ssyncadd.s32 @!p2 $0xFFFFFF80;
	p5 =	sge.u32 s16, s7;
	s16 =	smov.u32 s3  }
0x6f: {  	[tilespmem:s25], [sflag:$0x9] =	stream.indirect.gather @!p2 [hbm4b:s17+s26], $0x80, s13, s26, $0xb8;
	[tilespmem:$0x1FF00] =	vst v63  }
0x70: {  	s0 =	simm.s32 @!p3 $0x7;
	s1 =	simm.s32 @!p2 $0x280;
	[dreg:$0xa] =	wrdreg s16  }
0x71: {  	[tilespmem:s1], [sflag:$0x6] =	stream.linear.gather @!p2 [hbm4b:s2+s22], $0x80, $0x38;
	[tilespmem:$0x1FF00] =	vst v63  }
0x72: {  	_ =	swait.ge @!p3 [sflag:s0], $0x4000  }
0x73: {  	s16 =	simm.s32 @!p5 $0x0;
	s2 =	sadd.s32 @!p5 s20, s14;
	[sflag:s0] =	ssyncset.done @!p3 $0x0  }
0x74: {  	s13 =	sadd.s32 @!p5 $0x1800, s2;
	[sflag:s0] =	ssyncadd.s32 @!p3 $0xFFFFC000;
	s0 =	simm.s32 @!p3 $0x4  }
0x75: {  	[tilespmem:s16], [sflag:$0x1] =	stream.linear.gather @!p5 [hbm4b:s13+s16], $0x80, $0x38;
	[tilespmem:$0x1FF00] =	vst v63  }
0x76: {  	_ =	swait.ge @!p3 [sflag:s0], $0x80  }
0x77: {  	s23 =	sadd.s32 $0x4, s3;
	p1 =	sgt.u32 s8, s7;
	s22 =	rddreg [dreg:$0x7]  }
0x78: {  	[sflag:s0] =	ssyncset.done @!p3 $0x0;
	s8 =	smov.u32 s22;
	s22 =	smov.u32 s23  }
0x79: {  	[sflag:s0] =	ssyncadd.s32 @!p3 $0xFFFFFF80;
	s0 =	simm.s32 @!p1 $0xA;
	[dreg:$0x7] =	wrdreg s22  }
0x7a: {  	[spmem:s28] =	stream.indirect.scatter.add.f32 @!p3 [tilespmem:s29], [sflag:$0xA], $0x80, s4, s6, $0xb8;
	[tilespmem:$0x1FF00] =	vst v63  }
0x7b: {  	_ =	swait.ge @!p1 [sflag:s0], $0x4000  }
0x7c: {  	[sflag:s0] =	ssyncset.done @!p1 $0x0  }
0x7d: {  	s4 =	simm.s32 @!p5 $0x1;
	[sflag:s0] =	ssyncadd.s32 @!p1 $0xFFFFC000  }
0x7e: {  	_ =	swait.ge @!p5 [sflag:s4], $0x80  }
0x7f: {  	s2 =	sadd.s32 @!p5 $0x1810, s2;
	[sflag:s4] =	ssyncset.done @!p5 $0x0  }
0x80: {  	s13 =	simm.s32 @!p5 $0x300;
	s0 =	simm.s32 @!p5 $0x80;
	[sflag:s4] =	ssyncadd.s32 @!p5 $0xFFFFFF80  }
0x81: {  	[tilespmem:s13], [sflag:$0x7] =	stream.indirect.gather @!p5 [hbm4b:s17+s0], $0x80, s16, s0, $0xb8;
	[tilespmem:$0x1FF00] =	vst v63  }
0x82: {  	p1 =	sge.u32 s31, s7;
	s4 =	simm.s32 @!p5 $0x180;
	s0 =	simm.s32 @!p4 $0x8  }
0x83: {  	[tilespmem:s4], [sflag:$0x4] =	stream.linear.gather @!p5 [hbm4b:s2+s16], $0x80, $0x38;
	[tilespmem:$0x1FF00] =	vst v63  }
0x84: {  	s2 =	sadd.s32 @!p1 s20, s14;
	_ =	swait.ge @!p4 [sflag:s0], $0x4000  }
0x85: {  	s4 =	simm.s32 @!p1 $0x80;
	s16 =	simm.s32 @!p1 $0x0;
	[sflag:s0] =	ssyncset.done @!p4 $0x0  }
0x86: {  	s13 =	sadd.s32 @!p1 $0x1C00, s2;
	[sflag:s0] =	ssyncadd.s32 @!p4 $0xFFFFC000;
	s0 =	simm.s32 @!p4 $0x5  }
0x87: {  	[tilespmem:s4], [sflag:$0x2] =	stream.linear.gather @!p1 [hbm4b:s13+s16], $0x80, $0x38;
	[tilespmem:$0x1FF00] =	vst v63  }
0x88: {  	_ =	swait.ge @!p4 [sflag:s0], $0x80  }
0x89: {  	p3 =	sgt.u32 s18, s7;
	[sflag:s0] =	ssyncset.done @!p4 $0x0  }
0x8a: {  	[sflag:s0] =	ssyncadd.s32 @!p4 $0xFFFFFF80;
	s0 =	simm.s32 @!p3 $0xA  }
0x8b: {  	[spmem:s28] =	stream.indirect.scatter.add.f32 @!p4 [tilespmem:s21], [sflag:$0xA], $0x80, s30, s24, $0xb8;
	[tilespmem:$0x1FF00] =	vst v63  }
0x8c: {  	s31 =	smov.u32 s15;
	s15 =	rddreg [dreg:$0xf];
	_ =	swait.ge @!p3 [sflag:s0], $0x4000  }
0x8d: {  	[sflag:s0] =	ssyncset.done @!p3 $0x0  }
0x8e: {  	s12 =	sadd.s32 $0x1800, s12;
	s13 =	simm.s32 @!p1 $0x2;
	[sflag:s0] =	ssyncadd.s32 @!p3 $0xFFFFC000  }
0x8f: {  	p0 =	sne.s32 s12, $0x15000;
	s19 =	sadd.s32 $0x7, s3;
	_ =	swait.ge @!p1 [sflag:s13], $0x80  }
0x90: {  	s3 =	sadd.s32 $0x6, s3;
	s29 =	smov.u32 s19;
	[sflag:s13] =	ssyncset.done @!p1 $0x0  }
0x91: {  	s18 =	smov.u32 s5;
	s0 =	simm.s32 @!p1 $0x4300;
	[sflag:s13] =	ssyncadd.s32 @!p1 $0xFFFFFF80  }
0x92: {  	[tilespmem:s0], [sflag:$0x8] =	stream.indirect.gather @!p1 [hbm4b:s17+s4], $0x80, s4, s4, $0xb8;
	[tilespmem:$0x1FF00] =	vst v63  }
0x93: {  	s2 =	sadd.s32 @!p1 $0x1C10, s2;
	s22 =	smov.u32 s15;
	s17 =	rddreg [dreg:$0xe]  }
0x94: {  	s13 =	simm.s32 @!p1 $0x200;
	s0 =	simm.s32 @!p2 $0x9;
	p4 =	sge.u32 s17, s7  }
0x95: {  	[tilespmem:s13], [sflag:$0x5] =	stream.linear.gather @!p1 [hbm4b:s2+s16], $0x80, $0x38;
	[tilespmem:$0x1FF00] =	vst v63  }
0x96: {  	s19 =	rddreg [dreg:$0xc];
	s2 =	sadd.s32 @!p4 s20, s14;
	_ =	swait.ge @!p2 [sflag:s0], $0x4000  }
0x97: {  	s4 =	simm.s32 @!p4 $0x0;
	s13 =	simm.s32 @!p2 $0x6;
	[sflag:s0] =	ssyncset.done @!p2 $0x0  }
0x98: {  	s2 =	sadd.s32 @!p4 $0x2000, s2;
	[sflag:s0] =	ssyncadd.s32 @!p2 $0xFFFFC000;
	s0 =	simm.s32 @!p4 $0x100  }
0x99: {  	[tilespmem:s0], [sflag:$0x3] =	stream.linear.gather @!p4 [hbm4b:s2+s4], $0x80, $0x38;
	[tilespmem:$0x1FF00] =	vst v63  }
0x9a: {  	p3 =	seq.s32 s10, $0x0;
	s30 =	smov.u32 s19;
	_ =	swait.ge @!p2 [sflag:s13], $0x80  }
.Ltmp0:
0x9b: {  	s20 =	smov.u32 s10;
	s21 =	rddreg [dreg:$0xb];
	(pc) =	sbr.rel @p0 .LBB2_2-.Ltmp0, $4  }
0x9c: {  	s4 =	simm.s32 @!p3 $0xA;
	[sflag:s13] =	ssyncset.done @!p2 $0x0;
	s23 =	rddreg [dreg:$0xd]  }
0x9d: {  	s17 =	smov.u32 s21;
	s21 =	sadd.s32 $0x2, s11;
	[sflag:s13] =	ssyncadd.s32 @!p2 $0xFFFFFF80  }
0x9e: {  	[spmem:s28] =	stream.indirect.scatter.add.f32 @!p2 [tilespmem:s25], [sflag:$0xA], $0x80, s1, s26, $0xb8;
	[tilespmem:$0x1FF00] =	vst v63  }
0x9f: {  	s24 =	smov.u32 s23;
	p1 =	sge.u32 s21, s7;
	_ =	swait.ge @!p3 [sflag:s4], $0x4000  }
0xa0: {  	[sflag:s4] =	ssyncset.done @!p3 $0x0  }
0xa1: {  	s0 =	simm.s32 @!p1 $0x3;
	[sflag:s4] =	ssyncadd.s32 @!p3 $0xFFFFC000  }
0xa2: {  	_ =	swait.ge @!p1 [sflag:s0], $0x80  }
0xa3: {  	p2 =	sge.u32 s11, s7;
	s1 =	sadd.s32 @!p1 s20, s14;
	[sflag:s0] =	ssyncset.done @!p1 $0x0  }
0xa4: {  	s5 =	simm.s32 @!p1 $0x80;
	s2 =	simm.s32 @!p1 $0x100;
	[sflag:s0] =	ssyncadd.s32 @!p1 $0xFFFFFF80  }
0xa5: {  	s12 =	simm.s32 @!p1 $0x280;
	s4 =	simm.s32 @!p1 $0x8300;
	s23 =	rddreg [dreg:$0x1]  }
0xa6: {  	[tilespmem:s4], [sflag:$0x9] =	stream.indirect.gather @!p1 [hbm4b:s23+s5], $0x80, s2, s5, $0xb8;
	[tilespmem:$0x1FF00] =	vst v63  }
0xa7: {  	s0 =	sadd.s32 @!p1 $0x810, s1;
	s1 =	simm.s32 @!p1 $0x0;
	s2 =	simm.s32 @!p2 $0x7  }
0xa8: {  	[tilespmem:s12], [sflag:$0x6] =	stream.linear.gather @!p1 [hbm4b:s0+s1], $0x80, $0x38;
	[tilespmem:$0x1FF00] =	vst v63  }
0xa9: {  	p0 =	sge.u32 s9, s7;
	_ =	swait.ge @!p2 [sflag:s2], $0x4000  }
0xaa: {  	s13 =	simm.s32 @!p0 $0x0;
	s1 =	sadd.s32 @!p0 s20, s14;
	[sflag:s2] =	ssyncset.done @!p2 $0x0  }
0xab: {  	s0 =	sadd.s32 @!p0 $0xC00, s1;
	[sflag:s2] =	ssyncadd.s32 @!p2 $0xFFFFC000;
	s2 =	simm.s32 @!p2 $0x4  }
0xac: {  	[tilespmem:s13], [sflag:$0x1] =	stream.linear.gather @!p0 [hbm4b:s0+s13], $0x80, $0x38;
	[tilespmem:$0x1FF00] =	vst v63  }
0xad: {  	_ =	swait.ge @!p2 [sflag:s2], $0x80  }
0xae: {  	s6 =	simm.s32 @!p2 $0xA;
	s15 =	simm.s32 @!p2 $0x180;
	[sflag:s2] =	ssyncset.done @!p2 $0x0  }
0xaf: {  	s0 =	simm.s32 @!p2 $0x300;
	[sflag:s2] =	ssyncadd.s32 @!p2 $0xFFFFFF80;
	s2 =	simm.s32 @!p2 $0x80  }
0xb0: {  	[spmem:s28] =	stream.indirect.scatter.add.f32 @!p2 [tilespmem:s0], [sflag:$0xA], $0x80, s15, s2, $0xb8;
	[tilespmem:$0x1FF00] =	vst v63  }
0xb1: {  	_ =	swait.ge @!p2 [sflag:s6], $0x4000  }
0xb2: {  	[sflag:s6] =	ssyncset.done @!p2 $0x0  }
0xb3: {  	s0 =	simm.s32 @!p0 $0x1;
	[sflag:s6] =	ssyncadd.s32 @!p2 $0xFFFFC000  }
0xb4: {  	_ =	swait.ge @!p0 [sflag:s0], $0x80  }
0xb5: {  	s6 =	simm.s32 @!p0 $0x80;
	[sflag:s0] =	ssyncset.done @!p0 $0x0;
	s16 =	rddreg [dreg:$0x6]  }
0xb6: {  	[sflag:s0] =	ssyncadd.s32 @!p0 $0xFFFFFF80;
	s0 =	simm.s32 @!p0 $0x300;
	p3 =	sge.u32 s11, s16  }
0xb7: {  	[tilespmem:s0], [sflag:$0x7] =	stream.indirect.gather @!p0 [hbm4b:s23+s6], $0x80, s13, s6, $0xb8;
	[tilespmem:$0x1FF00] =	vst v63  }
0xb8: {  	s1 =	sadd.s32 @!p0 $0xC10, s1;
	s15 =	simm.s32 @!p0 $0x180;
	s2 =	simm.s32 @!p3 $0x8  }
0xb9: {  	[tilespmem:s15], [sflag:$0x4] =	stream.linear.gather @!p0 [hbm4b:s1+s13], $0x80, $0x38;
	[tilespmem:$0x1FF00] =	vst v63  }
0xba: {  	p2 =	sge.u32 s8, s7;
	_ =	swait.ge @!p3 [sflag:s2], $0x4000  }
0xbb: {  	s13 =	sadd.s32 @!p2 s20, s14;
	s1 =	simm.s32 @!p2 $0x80;
	[sflag:s2] =	ssyncset.done @!p3 $0x0  }
0xbc: {  	s11 =	sadd.s32 @!p2 $0x1000, s13;
	[sflag:s2] =	ssyncadd.s32 @!p3 $0xFFFFC000;
	s2 =	simm.s32 @!p2 $0x0  }
0xbd: {  	[tilespmem:s1], [sflag:$0x2] =	stream.linear.gather @!p2 [hbm4b:s11+s2], $0x80, $0x38;
	[tilespmem:$0x1FF00] =	vst v63  }
0xbe: {  	s11 =	simm.s32 @!p3 $0x5  }
0xbf: {  	_ =	swait.ge @!p3 [sflag:s11], $0x80  }
0xc0: {  	s16 =	simm.s32 @!p3 $0x80;
	[sflag:s11] =	ssyncset.done @!p3 $0x0  }
0xc1: {  	s19 =	simm.s32 @!p3 $0x200;
	[sflag:s11] =	ssyncadd.s32 @!p3 $0xFFFFFF80;
	s11 =	simm.s32 @!p3 $0x4300  }
0xc2: {  	[spmem:s28] =	stream.indirect.scatter.add.f32 @!p3 [tilespmem:s11], [sflag:$0xA], $0x80, s19, s16, $0xb8;
	[tilespmem:$0x1FF00] =	vst v63  }
0xc3: {  	p3 =	sgt.u32 s21, s7  }
0xc4: {  	s11 =	simm.s32 @!p3 $0xA  }
0xc5: {  	_ =	swait.ge @!p3 [sflag:s11], $0x4000  }
0xc6: {  	[sflag:s11] =	ssyncset.done @!p3 $0x0  }
0xc7: {  	s16 =	simm.s32 @!p2 $0x2;
	[sflag:s11] =	ssyncadd.s32 @!p3 $0xFFFFC000  }
0xc8: {  	_ =	swait.ge @!p2 [sflag:s16], $0x80  }
0xc9: {  	[sflag:s16] =	ssyncset.done @!p2 $0x0  }
0xca: {  	s11 =	simm.s32 @!p2 $0x4300;
	[sflag:s16] =	ssyncadd.s32 @!p2 $0xFFFFFF80  }
0xcb: {  	[tilespmem:s11], [sflag:$0x8] =	stream.indirect.gather @!p2 [hbm4b:s23+s1], $0x80, s1, s1, $0xb8;
	[tilespmem:$0x1FF00] =	vst v63  }
0xcc: {  	s13 =	sadd.s32 @!p2 $0x1010, s13;
	s19 =	simm.s32 @!p2 $0x200  }
0xcd: {  	[tilespmem:s19], [sflag:$0x5] =	stream.linear.gather @!p2 [hbm4b:s13+s2], $0x80, $0x38;
	[tilespmem:$0x1FF00] =	vst v63  }
0xce: {  	s2 =	simm.s32 @!p1 $0x9  }
0xcf: {  	p3 =	sge.u32 s18, s7;
	_ =	swait.ge @!p1 [sflag:s2], $0x4000  }
0xd0: {  	s21 =	simm.s32 @!p3 $0x0;
	s13 =	sadd.s32 @!p3 s20, s14;
	[sflag:s2] =	ssyncset.done @!p1 $0x0  }
0xd1: {  	s16 =	sadd.s32 @!p3 $0x1400, s13;
	[sflag:s2] =	ssyncadd.s32 @!p1 $0xFFFFC000;
	s2 =	simm.s32 @!p3 $0x100  }
0xd2: {  	[tilespmem:s2], [sflag:$0x3] =	stream.linear.gather @!p3 [hbm4b:s16+s21], $0x80, $0x38;
	[tilespmem:$0x1FF00] =	vst v63  }
0xd3: {  	s16 =	simm.s32 @!p1 $0x6  }
0xd4: {  	_ =	swait.ge @!p1 [sflag:s16], $0x80  }
0xd5: {  	[sflag:s16] =	ssyncset.done @!p1 $0x0  }
0xd6: {  	[sflag:s16] =	ssyncadd.s32 @!p1 $0xFFFFFF80  }
0xd7: {  	[spmem:s28] =	stream.indirect.scatter.add.f32 @!p1 [tilespmem:s4], [sflag:$0xA], $0x80, s12, s5, $0xb8;
	[tilespmem:$0x1FF00] =	vst v63  }
0xd8: {  	p1 =	sgt.u32 s9, s7  }
0xd9: {  	s4 =	simm.s32 @!p1 $0xA  }
0xda: {  	_ =	swait.ge @!p1 [sflag:s4], $0x4000  }
0xdb: {  	[sflag:s4] =	ssyncset.done @!p1 $0x0  }
0xdc: {  	s5 =	simm.s32 @!p3 $0x3;
	[sflag:s4] =	ssyncadd.s32 @!p1 $0xFFFFC000  }
0xdd: {  	_ =	swait.ge @!p3 [sflag:s5], $0x80  }
0xde: {  	[sflag:s5] =	ssyncset.done @!p3 $0x0  }
0xdf: {  	s4 =	simm.s32 @!p3 $0x80;
	[sflag:s5] =	ssyncadd.s32 @!p3 $0xFFFFFF80;
	s5 =	simm.s32 @!p3 $0x8300  }
0xe0: {  	[tilespmem:s5], [sflag:$0x9] =	stream.indirect.gather @!p3 [hbm4b:s23+s4], $0x80, s2, s4, $0xb8;
	[tilespmem:$0x1FF00] =	vst v63  }
0xe1: {  	s9 =	simm.s32 @!p3 $0x280;
	s2 =	sadd.s32 @!p3 $0x1410, s13  }
0xe2: {  	[tilespmem:s9], [sflag:$0x6] =	stream.linear.gather @!p3 [hbm4b:s2+s21], $0x80, $0x38;
	[tilespmem:$0x1FF00] =	vst v63  }
0xe3: {  	s10 =	rddreg [dreg:$0xa];
	s2 =	simm.s32 @!p0 $0x7  }
0xe4: {  	p1 =	sge.u32 s10, s7;
	_ =	swait.ge @!p0 [sflag:s2], $0x4000  }
0xe5: {  	s10 =	sadd.s32 @!p1 s20, s14;
	[sflag:s2] =	ssyncset.done @!p0 $0x0  }
0xe6: {  	s12 =	sadd.s32 @!p1 $0x1800, s10;
	[sflag:s2] =	ssyncadd.s32 @!p0 $0xFFFFC000;
	s2 =	simm.s32 @!p1 $0x0  }
0xe7: {  	[tilespmem:s2], [sflag:$0x1] =	stream.linear.gather @!p1 [hbm4b:s12+s2], $0x80, $0x38;
	[tilespmem:$0x1FF00] =	vst v63  }
0xe8: {  	s12 =	simm.s32 @!p0 $0x4  }
0xe9: {  	_ =	swait.ge @!p0 [sflag:s12], $0x80  }
0xea: {  	[sflag:s12] =	ssyncset.done @!p0 $0x0  }
0xeb: {  	[sflag:s12] =	ssyncadd.s32 @!p0 $0xFFFFFF80  }
0xec: {  	[spmem:s28] =	stream.indirect.scatter.add.f32 @!p0 [tilespmem:s0], [sflag:$0xA], $0x80, s15, s6, $0xb8;
	[tilespmem:$0x1FF00] =	vst v63  }
0xed: {  	p0 =	sgt.u32 s8, s7  }
0xee: {  	s0 =	simm.s32 @!p0 $0xA  }
0xef: {  	_ =	swait.ge @!p0 [sflag:s0], $0x4000  }
0xf0: {  	[sflag:s0] =	ssyncset.done @!p0 $0x0  }
0xf1: {  	s6 =	simm.s32 @!p1 $0x1;
	[sflag:s0] =	ssyncadd.s32 @!p0 $0xFFFFC000  }
0xf2: {  	_ =	swait.ge @!p1 [sflag:s6], $0x80  }
0xf3: {  	[sflag:s6] =	ssyncset.done @!p1 $0x0  }
0xf4: {  	s0 =	simm.s32 @!p1 $0x80;
	[sflag:s6] =	ssyncadd.s32 @!p1 $0xFFFFFF80;
	s6 =	simm.s32 @!p1 $0x300  }
0xf5: {  	[tilespmem:s6], [sflag:$0x7] =	stream.indirect.gather @!p1 [hbm4b:s23+s0], $0x80, s2, s0, $0xb8;
	[tilespmem:$0x1FF00] =	vst v63  }
0xf6: {  	s0 =	sadd.s32 @!p1 $0x1810, s10;
	s6 =	simm.s32 @!p1 $0x180  }
0xf7: {  	[tilespmem:s6], [sflag:$0x4] =	stream.linear.gather @!p1 [hbm4b:s0+s2], $0x80, $0x38;
	[tilespmem:$0x1FF00] =	vst v63  }
0xf8: {  	s0 =	simm.s32 @!p2 $0x8  }
0xf9: {  	p0 =	sge.u32 s31, s7;
	_ =	swait.ge @!p2 [sflag:s0], $0x4000  }
0xfa: {  	s2 =	sadd.s32 @!p0 s20, s14;
	s6 =	simm.s32 @!p0 $0x80;
	[sflag:s0] =	ssyncset.done @!p2 $0x0  }
0xfb: {  	s8 =	sadd.s32 @!p0 $0x1C00, s2;
	[sflag:s0] =	ssyncadd.s32 @!p2 $0xFFFFC000;
	s0 =	simm.s32 @!p0 $0x0  }
0xfc: {  	[tilespmem:s6], [sflag:$0x2] =	stream.linear.gather @!p0 [hbm4b:s8+s0], $0x80, $0x38;
	[tilespmem:$0x1FF00] =	vst v63  }
0xfd: {  	s8 =	simm.s32 @!p2 $0x5  }
0xfe: {  	_ =	swait.ge @!p2 [sflag:s8], $0x80  }
0xff: {  	p1 =	sgt.u32 s18, s7;
	[sflag:s8] =	ssyncset.done @!p2 $0x0  }
0x100: {  	[sflag:s8] =	ssyncadd.s32 @!p2 $0xFFFFFF80;
	s8 =	simm.s32 @!p1 $0xA  }
0x101: {  	[spmem:s28] =	stream.indirect.scatter.add.f32 @!p2 [tilespmem:s11], [sflag:$0xA], $0x80, s19, s1, $0xb8;
	[tilespmem:$0x1FF00] =	vst v63  }
0x102: {  	_ =	swait.ge @!p1 [sflag:s8], $0x4000  }
0x103: {  	[sflag:s8] =	ssyncset.done @!p1 $0x0  }
0x104: {  	s1 =	simm.s32 @!p0 $0x2;
	[sflag:s8] =	ssyncadd.s32 @!p1 $0xFFFFC000  }
0x105: {  	_ =	swait.ge @!p0 [sflag:s1], $0x80  }
0x106: {  	[sflag:s1] =	ssyncset.done @!p0 $0x0  }
0x107: {  	s2 =	sadd.s32 @!p0 $0x1C10, s2;
	s8 =	simm.s32 @!p0 $0x4300;
	[sflag:s1] =	ssyncadd.s32 @!p0 $0xFFFFFF80  }
0x108: {  	[tilespmem:s8], [sflag:$0x8] =	stream.indirect.gather @!p0 [hbm4b:s23+s6], $0x80, s6, s6, $0xb8;
	[tilespmem:$0x1FF00] =	vst v63  }
0x109: {  	p1 =	sge.u32 s30, s7;
	s1 =	simm.s32 @!p0 $0x200;
	s6 =	simm.s32 @!p3 $0x9  }
0x10a: {  	[tilespmem:s1], [sflag:$0x5] =	stream.linear.gather @!p0 [hbm4b:s2+s0], $0x80, $0x38;
	[tilespmem:$0x1FF00] =	vst v63  }
0x10b: {  	s0 =	sadd.s32 @!p1 s20, s14;
	_ =	swait.ge @!p3 [sflag:s6], $0x4000  }
0x10c: {  	s1 =	simm.s32 @!p1 $0x0;
	s2 =	simm.s32 @!p1 $0x100;
	[sflag:s6] =	ssyncset.done @!p3 $0x0  }
0x10d: {  	s0 =	sadd.s32 @!p1 $0x2000, s0;
	[sflag:s6] =	ssyncadd.s32 @!p3 $0xFFFFC000;
	s6 =	simm.s32 @!p3 $0x6  }
0x10e: {  	[tilespmem:s2], [sflag:$0x3] =	stream.linear.gather @!p1 [hbm4b:s0+s1], $0x80, $0x38;
	[tilespmem:$0x1FF00] =	vst v63  }
0x10f: {  	_ =	swait.ge @!p3 [sflag:s6], $0x80  }
0x110: {  	p0 =	seq.s32 s17, $0x0;
	[sflag:s6] =	ssyncset.done @!p3 $0x0  }
0x111: {  	s0 =	simm.s32 @!p0 $0xA;
	s19 =	rddreg [dreg:$0x9];
	[sflag:s6] =	ssyncadd.s32 @!p3 $0xFFFFFF80  }
0x112: {  	[spmem:s28] =	stream.indirect.scatter.add.f32 @!p3 [tilespmem:s5], [sflag:$0xA], $0x80, s9, s4, $0xb8;
	[tilespmem:$0x1FF00] =	vst v63  }
0x113: {  	s20 =	sadd.s32 $0x2, s19;
	_ =	swait.ge @!p0 [sflag:s0], $0x4000  }
0x114: {  	p3 =	sge.u32 s20, s7;
	[sflag:s0] =	ssyncset.done @!p0 $0x0  }
0x115: {  	s1 =	simm.s32 @!p3 $0x3;
	[sflag:s0] =	ssyncadd.s32 @!p0 $0xFFFFC000  }
0x116: {  	p1 =	sge.u32 s19, s7;
	s4 =	simm.s32 @!p3 $0x8300;
	_ =	swait.ge @!p3 [sflag:s1], $0x80  }
0x117: {  	s5 =	simm.s32 @!p3 $0x80;
	s2 =	simm.s32 @!p3 $0x100;
	[sflag:s1] =	ssyncset.done @!p3 $0x0  }
0x118: {  	s8 =	simm.s32 @!p3 $0x280;
	s0 =	sadd.s32 @!p3 s17, s14;
	[sflag:s1] =	ssyncadd.s32 @!p3 $0xFFFFFF80  }
0x119: {  	[tilespmem:s4], [sflag:$0x9] =	stream.indirect.gather @!p3 [hbm4b:s23+s5], $0x80, s2, s5, $0xb8;
	[tilespmem:$0x1FF00] =	vst v63  }
0x11a: {  	s0 =	sadd.s32 @!p3 $0x810, s0;
	s1 =	simm.s32 @!p3 $0x0;
	s2 =	simm.s32 @!p1 $0x7  }
0x11b: {  	[tilespmem:s8], [sflag:$0x6] =	stream.linear.gather @!p3 [hbm4b:s0+s1], $0x80, $0x38;
	[tilespmem:$0x1FF00] =	vst v63  }
0x11c: {  	_ =	swait.ge @!p1 [sflag:s2], $0x4000  }
0x11d: {  	s21 =	rddreg [dreg:$0x8]  }
0x11e: {  	p0 =	sge.u32 s21, s7  }
0x11f: {  	s6 =	simm.s32 @!p1 $0x4;
	[sflag:s2] =	ssyncset.done @!p1 $0x0;
	s0 =	sadd.s32 @!p0 s17, s14  }
0x120: {  	[sflag:s2] =	ssyncadd.s32 @!p1 $0xFFFFC000;
	s1 =	simm.s32 @!p0 $0x0;
	s2 =	sadd.s32 @!p0 $0xC00, s0  }
0x121: {  	[tilespmem:s1], [sflag:$0x1] =	stream.linear.gather @!p0 [hbm4b:s2+s1], $0x80, $0x38;
	[tilespmem:$0x1FF00] =	vst v63  }
0x122: {  	_ =	swait.ge @!p1 [sflag:s6], $0x80  }
0x123: {  	s9 =	simm.s32 @!p1 $0xA;
	s11 =	simm.s32 @!p1 $0x180;
	[sflag:s6] =	ssyncset.done @!p1 $0x0  }
0x124: {  	s2 =	simm.s32 @!p1 $0x300;
	[sflag:s6] =	ssyncadd.s32 @!p1 $0xFFFFFF80;
	s6 =	simm.s32 @!p1 $0x80  }
0x125: {  	[spmem:s28] =	stream.indirect.scatter.add.f32 @!p1 [tilespmem:s2], [sflag:$0xA], $0x80, s11, s6, $0xb8;
	[tilespmem:$0x1FF00] =	vst v63  }
0x126: {  	_ =	swait.ge @!p1 [sflag:s9], $0x4000  }
0x127: {  	[sflag:s9] =	ssyncset.done @!p1 $0x0  }
0x128: {  	s2 =	simm.s32 @!p0 $0x1;
	[sflag:s9] =	ssyncadd.s32 @!p1 $0xFFFFC000  }
0x129: {  	_ =	swait.ge @!p0 [sflag:s2], $0x80  }
0x12a: {  	s0 =	sadd.s32 @!p0 $0xC10, s0;
	s6 =	simm.s32 @!p0 $0x80;
	[sflag:s2] =	ssyncset.done @!p0 $0x0  }
0x12b: {  	s9 =	simm.s32 @!p0 $0x300;
	s25 =	rddreg [dreg:$0x6];
	[sflag:s2] =	ssyncadd.s32 @!p0 $0xFFFFFF80  }
0x12c: {  	[tilespmem:s9], [sflag:$0x7] =	stream.indirect.gather @!p0 [hbm4b:s23+s6], $0x80, s1, s6, $0xb8;
	[tilespmem:$0x1FF00] =	vst v63  }
0x12d: {  	s11 =	simm.s32 @!p0 $0x180;
	s26 =	rddreg [dreg:$0x7];
	p2 =	sge.u32 s19, s25  }
0x12e: {  	[tilespmem:s11], [sflag:$0x4] =	stream.linear.gather @!p0 [hbm4b:s0+s1], $0x80, $0x38;
	[tilespmem:$0x1FF00] =	vst v63  }
0x12f: {  	p1 =	sge.u32 s26, s7;
	s0 =	simm.s32 @!p2 $0x8  }
0x130: {  	s2 =	sadd.s32 @!p1 s17, s14;
	_ =	swait.ge @!p2 [sflag:s0], $0x4000  }
0x131: {  	s13 =	simm.s32 @!p1 $0x0;
	s12 =	sadd.s32 @!p1 $0x1000, s2;
	[sflag:s0] =	ssyncset.done @!p2 $0x0  }
0x132: {  	s1 =	simm.s32 @!p1 $0x80;
	[sflag:s0] =	ssyncadd.s32 @!p2 $0xFFFFC000;
	s0 =	simm.s32 @!p2 $0x5  }
0x133: {  	[tilespmem:s1], [sflag:$0x2] =	stream.linear.gather @!p1 [hbm4b:s12+s13], $0x80, $0x38;
	[tilespmem:$0x1FF00] =	vst v63  }
0x134: {  	p4 =	sgt.u32 s20, s7;
	_ =	swait.ge @!p2 [sflag:s0], $0x80  }
0x135: {  	s10 =	simm.s32 @!p2 $0x80;
	s15 =	simm.s32 @!p2 $0x200;
	[sflag:s0] =	ssyncset.done @!p2 $0x0  }
0x136: {  	s12 =	simm.s32 @!p2 $0x4300;
	[sflag:s0] =	ssyncadd.s32 @!p2 $0xFFFFFF80;
	s0 =	simm.s32 @!p4 $0xA  }
0x137: {  	[spmem:s28] =	stream.indirect.scatter.add.f32 @!p2 [tilespmem:s12], [sflag:$0xA], $0x80, s15, s10, $0xb8;
	[tilespmem:$0x1FF00] =	vst v63  }
0x138: {  	_ =	swait.ge @!p4 [sflag:s0], $0x4000  }
0x139: {  	[sflag:s0] =	ssyncset.done @!p4 $0x0  }
0x13a: {  	s12 =	simm.s32 @!p1 $0x2;
	[sflag:s0] =	ssyncadd.s32 @!p4 $0xFFFFC000  }
0x13b: {  	_ =	swait.ge @!p1 [sflag:s12], $0x80  }
0x13c: {  	[sflag:s12] =	ssyncset.done @!p1 $0x0  }
0x13d: {  	s10 =	simm.s32 @!p1 $0x4300;
	p2 =	sge.u32 s22, s7;
	[sflag:s12] =	ssyncadd.s32 @!p1 $0xFFFFFF80  }
0x13e: {  	[tilespmem:s10], [sflag:$0x8] =	stream.indirect.gather @!p1 [hbm4b:s23+s1], $0x80, s1, s1, $0xb8;
	[tilespmem:$0x1FF00] =	vst v63  }
0x13f: {  	s0 =	sadd.s32 @!p1 $0x1010, s2;
	s2 =	simm.s32 @!p3 $0x9;
	s12 =	simm.s32 @!p1 $0x200  }
0x140: {  	[tilespmem:s12], [sflag:$0x5] =	stream.linear.gather @!p1 [hbm4b:s0+s13], $0x80, $0x38;
	[tilespmem:$0x1FF00] =	vst v63  }
0x141: {  	s16 =	simm.s32 @!p2 $0x0;
	_ =	swait.ge @!p3 [sflag:s2], $0x4000  }
0x142: {  	s0 =	sadd.s32 @!p2 s17, s14;
	s13 =	simm.s32 @!p2 $0x100;
	[sflag:s2] =	ssyncset.done @!p3 $0x0  }
0x143: {  	s15 =	sadd.s32 @!p2 $0x1400, s0;
	[sflag:s2] =	ssyncadd.s32 @!p3 $0xFFFFC000;
	s2 =	simm.s32 @!p3 $0x6  }
0x144: {  	[tilespmem:s13], [sflag:$0x3] =	stream.linear.gather @!p2 [hbm4b:s15+s16], $0x80, $0x38;
	[tilespmem:$0x1FF00] =	vst v63  }
0x145: {  	_ =	swait.ge @!p3 [sflag:s2], $0x80  }
0x146: {  	[sflag:s2] =	ssyncset.done @!p3 $0x0  }
0x147: {  	[sflag:s2] =	ssyncadd.s32 @!p3 $0xFFFFFF80  }
0x148: {  	[spmem:s28] =	stream.indirect.scatter.add.f32 @!p3 [tilespmem:s4], [sflag:$0xA], $0x80, s8, s5, $0xb8;
	[tilespmem:$0x1FF00] =	vst v63  }
0x149: {  	p3 =	sgt.u32 s21, s7  }
0x14a: {  	s2 =	simm.s32 @!p3 $0xA  }
0x14b: {  	_ =	swait.ge @!p3 [sflag:s2], $0x4000  }
0x14c: {  	[sflag:s2] =	ssyncset.done @!p3 $0x0  }
0x14d: {  	s4 =	simm.s32 @!p2 $0x3;
	[sflag:s2] =	ssyncadd.s32 @!p3 $0xFFFFC000  }
0x14e: {  	_ =	swait.ge @!p2 [sflag:s4], $0x80  }
0x14f: {  	[sflag:s4] =	ssyncset.done @!p2 $0x0  }
0x150: {  	s2 =	simm.s32 @!p2 $0x80;
	[sflag:s4] =	ssyncadd.s32 @!p2 $0xFFFFFF80;
	s4 =	simm.s32 @!p2 $0x8300  }
0x151: {  	[tilespmem:s4], [sflag:$0x9] =	stream.indirect.gather @!p2 [hbm4b:s23+s2], $0x80, s13, s2, $0xb8;
	[tilespmem:$0x1FF00] =	vst v63  }
0x152: {  	s0 =	sadd.s32 @!p2 $0x1410, s0;
	s5 =	simm.s32 @!p2 $0x280  }
0x153: {  	[tilespmem:s5], [sflag:$0x6] =	stream.linear.gather @!p2 [hbm4b:s0+s16], $0x80, $0x38;
	[tilespmem:$0x1FF00] =	vst v63  }
0x154: {  	s0 =	simm.s32 @!p0 $0x7  }
0x155: {  	p3 =	sge.u32 s3, s7;
	_ =	swait.ge @!p0 [sflag:s0], $0x4000  }
0x156: {  	s3 =	sadd.s32 @!p3 s17, s14;
	[sflag:s0] =	ssyncset.done @!p0 $0x0  }
0x157: {  	s8 =	sadd.s32 @!p3 $0x1800, s3;
	[sflag:s0] =	ssyncadd.s32 @!p0 $0xFFFFC000;
	s0 =	simm.s32 @!p3 $0x0  }
0x158: {  	[tilespmem:s0], [sflag:$0x1] =	stream.linear.gather @!p3 [hbm4b:s8+s0], $0x80, $0x38;
	[tilespmem:$0x1FF00] =	vst v63  }
0x159: {  	s8 =	simm.s32 @!p0 $0x4  }
0x15a: {  	_ =	swait.ge @!p0 [sflag:s8], $0x80  }
0x15b: {  	[sflag:s8] =	ssyncset.done @!p0 $0x0  }
0x15c: {  	[sflag:s8] =	ssyncadd.s32 @!p0 $0xFFFFFF80  }
0x15d: {  	[spmem:s28] =	stream.indirect.scatter.add.f32 @!p0 [tilespmem:s9], [sflag:$0xA], $0x80, s11, s6, $0xb8;
	[tilespmem:$0x1FF00] =	vst v63  }
0x15e: {  	p0 =	sgt.u32 s26, s7  }
0x15f: {  	s6 =	simm.s32 @!p0 $0xA  }
0x160: {  	_ =	swait.ge @!p0 [sflag:s6], $0x4000  }
0x161: {  	[sflag:s6] =	ssyncset.done @!p0 $0x0  }
0x162: {  	s8 =	simm.s32 @!p3 $0x1;
	[sflag:s6] =	ssyncadd.s32 @!p0 $0xFFFFC000  }
0x163: {  	_ =	swait.ge @!p3 [sflag:s8], $0x80  }
0x164: {  	[sflag:s8] =	ssyncset.done @!p3 $0x0  }
0x165: {  	s6 =	simm.s32 @!p3 $0x80;
	[sflag:s8] =	ssyncadd.s32 @!p3 $0xFFFFFF80;
	s8 =	simm.s32 @!p3 $0x300  }
0x166: {  	[tilespmem:s8], [sflag:$0x7] =	stream.indirect.gather @!p3 [hbm4b:s23+s6], $0x80, s0, s6, $0xb8;
	[tilespmem:$0x1FF00] =	vst v63  }
0x167: {  	s3 =	sadd.s32 @!p3 $0x1810, s3;
	s6 =	simm.s32 @!p3 $0x180  }
0x168: {  	[tilespmem:s6], [sflag:$0x4] =	stream.linear.gather @!p3 [hbm4b:s3+s0], $0x80, $0x38;
	[tilespmem:$0x1FF00] =	vst v63  }
0x169: {  	s0 =	simm.s32 @!p1 $0x8  }
0x16a: {  	p0 =	sge.u32 s29, s7;
	_ =	swait.ge @!p1 [sflag:s0], $0x4000  }
0x16b: {  	s3 =	sadd.s32 @!p0 s17, s14;
	s6 =	simm.s32 @!p0 $0x80;
	[sflag:s0] =	ssyncset.done @!p1 $0x0  }
0x16c: {  	s8 =	sadd.s32 @!p0 $0x1C00, s3;
	[sflag:s0] =	ssyncadd.s32 @!p1 $0xFFFFC000;
	s0 =	simm.s32 @!p0 $0x0  }
0x16d: {  	[tilespmem:s6], [sflag:$0x2] =	stream.linear.gather @!p0 [hbm4b:s8+s0], $0x80, $0x38;
	[tilespmem:$0x1FF00] =	vst v63  }
0x16e: {  	s8 =	simm.s32 @!p1 $0x5  }
0x16f: {  	_ =	swait.ge @!p1 [sflag:s8], $0x80  }
0x170: {  	[sflag:s8] =	ssyncset.done @!p1 $0x0  }
0x171: {  	[sflag:s8] =	ssyncadd.s32 @!p1 $0xFFFFFF80  }
0x172: {  	[spmem:s28] =	stream.indirect.scatter.add.f32 @!p1 [tilespmem:s10], [sflag:$0xA], $0x80, s12, s1, $0xb8;
	[tilespmem:$0x1FF00] =	vst v63  }
0x173: {  	p1 =	sgt.u32 s22, s7  }
0x174: {  	s1 =	simm.s32 @!p1 $0xA  }
0x175: {  	_ =	swait.ge @!p1 [sflag:s1], $0x4000  }
0x176: {  	[sflag:s1] =	ssyncset.done @!p1 $0x0  }
0x177: {  	[sflag:s1] =	ssyncadd.s32 @!p1 $0xFFFFC000;
	s1 =	simm.s32 @!p0 $0x2  }
0x178: {  	_ =	swait.ge @!p0 [sflag:s1], $0x80  }
0x179: {  	[sflag:s1] =	ssyncset.done @!p0 $0x0  }
0x17a: {  	[sflag:s1] =	ssyncadd.s32 @!p0 $0xFFFFFF80;
	s1 =	simm.s32 @!p0 $0x4300  }
0x17b: {  	[tilespmem:s1], [sflag:$0x8] =	stream.indirect.gather @!p0 [hbm4b:s23+s6], $0x80, s6, s6, $0xb8;
	[tilespmem:$0x1FF00] =	vst v63  }
0x17c: {  	s1 =	sadd.s32 @!p0 $0x1C10, s3;
	s3 =	simm.s32 @!p0 $0x200  }
0x17d: {  	[tilespmem:s3], [sflag:$0x5] =	stream.linear.gather @!p0 [hbm4b:s1+s0], $0x80, $0x38;
	[tilespmem:$0x1FF00] =	vst v63  }
0x17e: {  	s0 =	simm.s32 @!p2 $0x9  }
0x17f: {  	p0 =	sge.u32 s24, s7;
	_ =	swait.ge @!p2 [sflag:s0], $0x4000  }
0x180: {  	s1 =	sadd.s32 @!p0 s17, s14;
	s3 =	simm.s32 @!p0 $0x0;
	[sflag:s0] =	ssyncset.done @!p2 $0x0  }
0x181: {  	s1 =	sadd.s32 @!p0 $0x2000, s1;
	[sflag:s0] =	ssyncadd.s32 @!p2 $0xFFFFC000;
	s0 =	simm.s32 @!p0 $0x100  }
0x182: {  	[tilespmem:s0], [sflag:$0x3] =	stream.linear.gather @!p0 [hbm4b:s1+s3], $0x80, $0x38;
	[tilespmem:$0x1FF00] =	vst v63  }
0x183: {  	s0 =	simm.s32 @!p2 $0x6  }
0x184: {  	_ =	swait.ge @!p2 [sflag:s0], $0x80  }
0x185: {  	[sflag:s0] =	ssyncset.done @!p2 $0x0  }
0x186: {  	[sflag:s0] =	ssyncadd.s32 @!p2 $0xFFFFFF80  }
0x187: {  	[spmem:s28] =	stream.indirect.scatter.add.f32 @!p2 [tilespmem:s4], [sflag:$0xA], $0x80, s5, s2, $0xb8;
	[tilespmem:$0x1FF00] =	vst v63  }
0x188: {  	[bflag:$0x0] =	sbarrier.arrive $0xFFFF  }
0x189: {  	s29 =	rddreg [dreg:$0x15]  }
0x18a: {  	s5 =	rddreg [dreg:$0x17]  }
0x18b: {  	s6 =	simm.s32 $0xB;
	s4 =	rddreg [dreg:$0x18]  }
0x18c: {  	[hbm:s29], [sflag:s5] =	dma.local [spmem:s4], $0x2780  }
0x18d: {  	_ =	swait.ge [sflag:s6], $0x2780  }
0x18e: {  	s30 =	rddreg [dreg:$0x19]  }
0x18f: {  	s31 =	rddreg [dreg:$0x16];
	s1 =	sadd.s32 $0x1, s30  }
0x190: {  	p0 =	sne.s32 s1, s31  }
.Ltmp1:
0x191: {  	_ = 	snop;
	(pc) =	sbr.rel @p0 .LBB2_1-.Ltmp1, $3  }
0x192: {  	_ =	sdelay $0x1  }
0x193: {  	[sflag:s6] =	ssyncset.done $0x0  }
0x194: {  	[sflag:s6] =	ssyncadd.s32 $0xFFFFD880  }
0x195: {  	_ =	sfence.sel $0x180000  }
0x196: {  	[bflag:$0x0] =	sbarrier.arrive $0xFFFF  }
0x197: {  	_ =	strace $0x90000047  }
0x198: {  	s0 =	stileid.u32;
	[bflag:$0x2] =	sbarrier.arrive $0xFFFF  }
0x199: {  	p0 =	sne.s32 s0, $0x0;
	s0 =	rddreg [dreg:$0x5]  }
0x19a: {  	s0 =	sadd.s32 @!p0 $0x100000, s0  }
0x19b: {  	[sflag:s0] =	ssyncadd.tile.s32 @!p0 $0x1;
	_ =	shalt  }
.Lfunc_end2:
_tile_overlayer_lowered:
.L_overlay_start_2:
0x19c: {  	(tag) =	ssettag $0x2  }
0x19d: {  	s0 =	rddreg [dreg:$0x0];
	s2 =	stileid.u32  }
0x19e: {  	s1 =	rddreg [dreg:$0x1];
	p0 =	sne.s32 s2, $0x0  }
0x19f: {  	s3 =	rddreg [dreg:$0x2];
	[bflag:$0x3] =	sbarrier.arrive $0xFFFF;
	s2 =	simm.s32 @!p0 $0x1C0B  }
0x1a0: {  	[timem:s3], [sflag:s2] =	dma.local @!p0 [hbm:s0], s1  }
0x1a1: {  	s0 =	simm.s32 @!p0 $0xB  }
0x1a2: {  	_ =	swait.ge @!p0 [sflag:s0], s1  }
0x1a3: {  	s1 =	ssub.s32 @!p0 $0x0, s1;
	[sflag:s0] =	ssyncset.done @!p0 $0x0  }
0x1a4: {  	[sflag:s0] =	ssyncadd.s32 @!p0 s1  }
0x1a5: {  	[bflag:$0x3] =	sbarrier.arrive $0xFFFF  }
0x1a6: {  	_ =	shalt  }

</sc_bundles>
